<compile_context>
chip_gen: v7x
topology: tpu7x:2x2x1
jax: 0.10.2.dev20260603
libtpu: 0.0.44.dev20260713+nightly
codegen_flags: <defaults>
</compile_context>

<pallas_src>
import functools

import jax
import jax.numpy as jnp
from jax import lax
from jax.experimental import pallas as pl
from jax.experimental.pallas import tpu as pltpu
from jax.experimental.pallas import tpu_sc as plsc

N = 10000
D = 128
E = 320000

NC = 2
NS = 16
NW = NC * NS
EPW = E // NW
CHUNK = 100
NCHUNK = EPW // CHUNK
NPAIR = NCHUNK // 2
N_PAD = 10240
RPT = N_PAD // NS

_MESH = plsc.VectorSubcoreMesh(
    core_axis_name="c", subcore_axis_name="s", num_cores=NC, num_subcores=NS
)



def _deg_body(ei_hbm, ones_hbm, zeros_hbm, out_hbm, deg_sh, dstv, onesv, semd):
    c = lax.axis_index("c")
    s = lax.axis_index("s")
    w = s * NC + c
    row0 = s * RPT
    pltpu.sync_copy(zeros_hbm.at[pl.ds(row0, RPT)], deg_sh.at[pl.ds(row0, RPT)])
    pltpu.sync_copy(ones_hbm, onesv)
    pltpu.sync_copy(ei_hbm.at[1, w], dstv)
    plsc.subcore_barrier()

    def body(i, carry):
        pltpu.make_async_copy(onesv, deg_sh.at[dstv.at[i]], semd).start(add=True)
        return carry

    lax.fori_loop(0, NCHUNK, body, 0)

    def drain(i, carry):
        pltpu.make_async_copy(onesv, deg_sh.at[dstv.at[0]], semd).wait()
        return carry

    lax.fori_loop(0, NCHUNK, drain, 0)
    plsc.subcore_barrier()
    pltpu.sync_copy(deg_sh.at[pl.ds(row0, RPT)], out_hbm.at[c, pl.ds(row0, RPT)])


_deg_call = functools.partial(
    pl.kernel,
    out_type=jax.ShapeDtypeStruct((NC, N_PAD, 16), jnp.float32),
    mesh=_MESH,
    compiler_params=pltpu.CompilerParams(use_tc_tiling_on_sc=False),
    scratch_types=[
        pltpu.VMEM_SHARED((N_PAD, 16), jnp.float32),
        pltpu.VMEM((NCHUNK, CHUNK), jnp.int32),
        pltpu.VMEM((CHUNK, 16), jnp.float32),
        pltpu.SemaphoreType.DMA,
    ],
)(_deg_body)



def _hop_body(h_hbm, ei_hbm, zeros_hbm, out_hbm,
              acc_sh, srcv, dstv, rb0, rb1, semg0, semg1, sems0, sems1):
    c = lax.axis_index("c")
    s = lax.axis_index("s")
    w = s * NC + c
    row0 = s * RPT
    pltpu.sync_copy(ei_hbm.at[0, w], srcv)
    pltpu.sync_copy(ei_hbm.at[1, w], dstv)
    pltpu.make_async_copy(h_hbm.at[srcv.at[0]], rb0, semg0).start()
    pltpu.make_async_copy(h_hbm.at[srcv.at[1]], rb1, semg1).start()
    pltpu.sync_copy(zeros_hbm.at[pl.ds(row0, RPT)], acc_sh.at[pl.ds(row0, RPT)])
    plsc.subcore_barrier()

    def body(j, carry):
        a = 2 * j
        b = a + 1
        pltpu.make_async_copy(h_hbm.at[srcv.at[a]], rb0, semg0).wait()
        pltpu.sync_copy(rb0, acc_sh.at[dstv.at[a]], add=True)

        @pl.when(a + 2 < NCHUNK)
        def _():
            pltpu.make_async_copy(h_hbm.at[srcv.at[a + 2]], rb0, semg0).start()

        pltpu.make_async_copy(h_hbm.at[srcv.at[b]], rb1, semg1).wait()
        pltpu.sync_copy(rb1, acc_sh.at[dstv.at[b]], add=True)

        @pl.when(b + 2 < NCHUNK)
        def _():
            pltpu.make_async_copy(h_hbm.at[srcv.at[b + 2]], rb1, semg1).start()

        return carry

    lax.fori_loop(0, NPAIR, body, 0)
    if NCHUNK % 2:
        last = NCHUNK - 1
        pltpu.make_async_copy(h_hbm.at[srcv.at[last]], rb0, semg0).wait()
        pltpu.sync_copy(rb0, acc_sh.at[dstv.at[last]], add=True)

    plsc.subcore_barrier()
    pltpu.sync_copy(acc_sh.at[pl.ds(row0, RPT)], out_hbm.at[c, pl.ds(row0, RPT)])


_hop_call = functools.partial(
    pl.kernel,
    out_type=jax.ShapeDtypeStruct((NC, N_PAD, D), jnp.float32),
    mesh=_MESH,
    compiler_params=pltpu.CompilerParams(use_tc_tiling_on_sc=False),
    scratch_types=[
        pltpu.VMEM_SHARED((N_PAD, D), jnp.float32),
        pltpu.VMEM((NCHUNK, CHUNK), jnp.int32),
        pltpu.VMEM((NCHUNK, CHUNK), jnp.int32),
        pltpu.VMEM((CHUNK, D), jnp.float32),
        pltpu.VMEM((CHUNK, D), jnp.float32),
        pltpu.SemaphoreType.DMA,
        pltpu.SemaphoreType.DMA,
        pltpu.SemaphoreType.DMA,
        pltpu.SemaphoreType.DMA,
    ],
)(_hop_body)


BLK = 2000
GRID = N // BLK
_SQRT1_2 = 0.7071067811865476


def _gelu(h):
    return 0.5 * h * (1.0 + lax.erf(h * _SQRT1_2))


def _layernorm(h, g, b):
    mu = jnp.mean(h, axis=1, keepdims=True)
    var = jnp.mean((h - mu) * (h - mu), axis=1, keepdims=True)
    return (h - mu) * lax.rsqrt(var + 1e-5) * g + b


def _matmul_t(a, w):
    return lax.dot_general(a, w, (((1,), (1,)), ((), ())),
                           preferred_element_type=jnp.float32)


def _pre_body(x_ref, w1_ref, b1_ref, g1_ref, bt1_ref, h_ref):
    h = _matmul_t(x_ref[...], w1_ref[...]) + b1_ref[...]
    h_ref[...] = _layernorm(_gelu(h), g1_ref[...], bt1_ref[...])


_pre_call = pl.pallas_call(
    _pre_body,
    grid=(GRID,),
    in_specs=[
        pl.BlockSpec((BLK, D), lambda i: (i, 0)),
        pl.BlockSpec((D, D), lambda i: (0, 0)),
        pl.BlockSpec((1, D), lambda i: (0, 0)),
        pl.BlockSpec((1, D), lambda i: (0, 0)),
        pl.BlockSpec((1, D), lambda i: (0, 0)),
    ],
    out_specs=pl.BlockSpec((BLK, D), lambda i: (i, 0)),
    out_shape=jax.ShapeDtypeStruct((N, D), jnp.float32),
)


def _scale_body(h_ref, degp_ref, h1_ref, dinv_ref):
    deg = degp_ref[0, :, 0:1] + degp_ref[1, :, 0:1] + 1.0
    dinv = lax.rsqrt(deg)
    dinv_ref[...] = dinv
    h1_ref[...] = h_ref[...] * jnp.broadcast_to(dinv, (BLK, D))


_scale_call = pl.pallas_call(
    _scale_body,
    grid=(GRID,),
    in_specs=[
        pl.BlockSpec((BLK, D), lambda i: (i, 0)),
        pl.BlockSpec((NC, BLK, 16), lambda i: (0, i, 0)),
    ],
    out_specs=[
        pl.BlockSpec((BLK, D), lambda i: (i, 0)),
        pl.BlockSpec((BLK, 1), lambda i: (i, 0)),
    ],
    out_shape=[
        jax.ShapeDtypeStruct((N, D), jnp.float32),
        jax.ShapeDtypeStruct((N, 1), jnp.float32),
    ],
)


def _mid_body(p_ref, h1_ref, dinv_ref, o_ref):
    s = p_ref[0] + p_ref[1] + h1_ref[...]
    dv = dinv_ref[...]
    o_ref[...] = jnp.broadcast_to(dv * dv, (BLK, D)) * s


_mid_call = pl.pallas_call(
    _mid_body,
    grid=(GRID,),
    in_specs=[
        pl.BlockSpec((NC, BLK, D), lambda i: (0, i, 0)),
        pl.BlockSpec((BLK, D), lambda i: (i, 0)),
        pl.BlockSpec((BLK, 1), lambda i: (i, 0)),
    ],
    out_specs=pl.BlockSpec((BLK, D), lambda i: (i, 0)),
    out_shape=jax.ShapeDtypeStruct((N, D), jnp.float32),
)


def _dense_out_body(q_ref, h2_ref, dinv_ref, wc_ref, bc_ref, g2_ref, bt2_ref,
                    w2_ref, b2_ref, o_ref):
    y = jnp.broadcast_to(dinv_ref[...], (BLK, D)) * (
        q_ref[0] + q_ref[1] + h2_ref[...])
    h = _matmul_t(y, wc_ref[...]) + bc_ref[...]
    h = _layernorm(_gelu(h), g2_ref[...], bt2_ref[...])
    o_ref[...] = _matmul_t(h, w2_ref[...]) + b2_ref[...]


_dense_out_call = pl.pallas_call(
    _dense_out_body,
    grid=(GRID,),
    in_specs=[
        pl.BlockSpec((NC, BLK, D), lambda i: (0, i, 0)),
        pl.BlockSpec((BLK, D), lambda i: (i, 0)),
        pl.BlockSpec((BLK, 1), lambda i: (i, 0)),
        pl.BlockSpec((D, D), lambda i: (0, 0)),
        pl.BlockSpec((1, D), lambda i: (0, 0)),
        pl.BlockSpec((1, D), lambda i: (0, 0)),
        pl.BlockSpec((1, D), lambda i: (0, 0)),
        pl.BlockSpec((D, D), lambda i: (0, 0)),
        pl.BlockSpec((1, D), lambda i: (0, 0)),
    ],
    out_specs=pl.BlockSpec((BLK, D), lambda i: (i, 0)),
    out_shape=jax.ShapeDtypeStruct((N, D), jnp.float32),
)


def kernel(x, edge_index, W1, b1, g1, bt1, Wc, bc, g2, bt2, W2, b2):
    ei4 = edge_index.reshape(2, NW, NCHUNK, CHUNK)
    ones16 = jnp.ones((CHUNK, 16), jnp.float32)
    zeros16 = jnp.zeros((N_PAD, 16), jnp.float32)
    zerosD = jnp.zeros((N_PAD, D), jnp.float32)

    degp = _deg_call(ei4, ones16, zeros16)
    h = _pre_call(x, W1, b1.reshape(1, D), g1.reshape(1, D), bt1.reshape(1, D))
    h1, dinv = _scale_call(h, degp)
    p = _hop_call(h1, ei4, zerosD)
    h2 = _mid_call(p, h1, dinv)
    q = _hop_call(h2, ei4, zerosD)
    return _dense_out_call(q, h2, dinv, Wc, bc.reshape(1, D),
                           g2.reshape(1, D), bt2.reshape(1, D), W2,
                           b2.reshape(1, D))

# --- scband reference (transcript-rebuilt; emitter-appended) ---
"""Pipeline reference for scband-sgc-lr-84954453114997 (READ-ONLY COPY).

The authoritative reference and input builder live on the scoring server;
editing this copy changes nothing except your own understanding.
"""

import jax, jax.numpy as jnp
import numpy as np

N = 10000
E = 320000
D_IN = 128
HID = 128
OUT = 128
K = 2


def setup_inputs(seed: int = 0) -> dict:
    key = jax.random.key(seed)
    ks = jax.random.split(key, 12)
    x = jax.random.normal(ks[0], (N, D_IN), dtype=jnp.float32)
    edge_index = jax.random.randint(ks[1], (2, E), 0, N, dtype=jnp.int32)
    W1 = jax.random.normal(ks[2], (HID, D_IN), dtype=jnp.float32) * (1.0 / np.sqrt(D_IN))
    b1 = jnp.zeros((HID,), dtype=jnp.float32)
    g1 = jnp.ones((HID,), dtype=jnp.float32)
    bt1 = jnp.zeros((HID,), dtype=jnp.float32)
    Wc = jax.random.normal(ks[3], (HID, HID), dtype=jnp.float32) * (1.0 / np.sqrt(HID))
    bc = jnp.zeros((HID,), dtype=jnp.float32)
    g2 = jnp.ones((HID,), dtype=jnp.float32)
    bt2 = jnp.zeros((HID,), dtype=jnp.float32)
    W2 = jax.random.normal(ks[4], (OUT, HID), dtype=jnp.float32) * (1.0 / np.sqrt(HID))
    b2 = jnp.zeros((OUT,), dtype=jnp.float32)
    return {"x": x, "edge_index": edge_index, "W1": W1, "b1": b1, "g1": g1, "bt1": bt1,
            "Wc": Wc, "bc": bc, "g2": g2, "bt2": bt2, "W2": W2, "b2": b2}


def _layernorm(h, g, b):
    mu = jnp.mean(h, axis=-1, keepdims=True)
    var = jnp.var(h, axis=-1, keepdims=True)
    return (h - mu) / jnp.sqrt(var + 1e-5) * g + b


def reference(x, edge_index, W1, b1, g1, bt1, Wc, bc, g2, bt2, W2, b2):
    # lin1 + gelu (erf, torch default) + layernorm; dropout is identity in eval
    h = jax.nn.gelu(x @ W1.T + b1, approximate=False)
    h = _layernorm(h, g1, bt1)
    # SGConv: K steps of GCN-normalized propagation with self-loops, then linear
    src = edge_index[0]
    dst = edge_index[1]
    n = x.shape[0]
    ones = jnp.ones(src.shape[0], dtype=h.dtype)
    deg = jnp.zeros((n,), dtype=h.dtype).at[dst].add(ones) + 1.0  # +1 for self-loop
    dinv = jnp.where(deg > 0, 1.0 / jnp.sqrt(deg), 0.0)
    w_edge = dinv[src] * dinv[dst]
    w_self = dinv * dinv
    for _ in range(K):
        h = jnp.zeros((n, h.shape[1]), dtype=h.dtype).at[dst].add(w_edge[:, None] * h[src]) + w_self[:, None] * h
    h = h @ Wc.T + bc
    h = jax.nn.gelu(h, approximate=False)
    h = _layernorm(h, g2, bt2)
    return h @ W2.T + b2

if __name__ == "__main__":
    import jax
    _d = setup_inputs()
    print(jax.jit(kernel)(*tuple(_d.values())))

</pallas_src>

<mosaic_0001>
#map = affine_map<(d0, d1) -> (0, 0, 0, 0)>
#map1 = affine_map<(d0, d1) -> (0, 0)>
#map2 = affine_map<(d0, d1) -> (0, 0, 0)>
module attributes {stable_mosaic.version = 14 : i64} {
  func.func @_deg_body(%arg0: i32, %arg1: i32, %arg2: memref<2x32x100x100xi32, #tpu.memory_space<hbm>>, %arg3: memref<100x16xf32, #tpu.memory_space<hbm>>, %arg4: memref<10240x16xf32, #tpu.memory_space<hbm>>, %arg5: memref<2x10240x16xf32, #tpu.memory_space<hbm>>, %arg6: memref<10240x16xf32, #tpu.memory_space<vmem_shared>>, %arg7: memref<100x100xi32, #tpu.memory_space<vmem>>, %arg8: memref<100x16xf32, #tpu.memory_space<vmem>>, %arg9: memref<!tpu.dma_semaphore, #tpu.memory_space<semaphore_mem>>) attributes {dimension_semantics = [#tpu.dimension_semantics<core_parallel>, #tpu.dimension_semantics<subcore_parallel>], iteration_bounds = array<i64: 2, 16>, scalar_prefetch = 0 : i64, scratch_operands = 4 : i64, tpu.core_type = #tpu.core_type<sc_vector_subcore>, window_params = [{transform_indices = #map}, {transform_indices = #map1}, {transform_indices = #map1}, {transform_indices = #map2}]} {
    %mul3A = arith.constant 2 : i32
    %mul3A_0 = arith.muli %arg1, %mul3A : i32
    %add3A = arith.addi %mul3A_0, %arg0 : i32
    %mul3A_1 = arith.constant 640 : i32
    %mul3A_2 = arith.muli %arg1, %mul3A_1 : i32
    "tpu.region"() ({
      %run_scoped3A_15 = tpu.sem_alloc : memref<!tpu.dma_semaphore, #tpu.memory_space<semaphore_mem>>
      %dma_start3A = arith.constant 0 : i32
      %dma_start3A_16 = tpu.memref_slice %arg6[%mul3A_2, %dma_start3A] : memref<10240x16xf32, #tpu.memory_space<vmem_shared>> -> memref<640x16xf32, #tpu.memory_space<vmem_shared>>
      %dma_start3A_17 = arith.constant 0 : i32
      %dma_start3A_18 = tpu.memref_slice %arg4[%mul3A_2, %dma_start3A_17] : memref<10240x16xf32, #tpu.memory_space<hbm>> -> memref<640x16xf32, #tpu.memory_space<hbm>>
      tpu.enqueue_dma source(%dma_start3A_18 : memref<640x16xf32, #tpu.memory_space<hbm>>) target(%dma_start3A_16 : memref<640x16xf32, #tpu.memory_space<vmem_shared>>) target_semaphore(%run_scoped3A_15 : memref<!tpu.dma_semaphore, #tpu.memory_space<semaphore_mem>>)
      %dma_wait3A = arith.constant 0 : i32
      %dma_wait3A_19 = tpu.memref_slice %arg6[%mul3A_2, %dma_wait3A] : memref<10240x16xf32, #tpu.memory_space<vmem_shared>> -> memref<640x16xf32, #tpu.memory_space<vmem_shared>>
      %dma_wait3A_20 = arith.constant 0 : i32
      %dma_wait3A_21 = tpu.memref_slice %arg4[%mul3A_2, %dma_wait3A_20] : memref<10240x16xf32, #tpu.memory_space<hbm>> -> memref<640x16xf32, #tpu.memory_space<hbm>>
      tpu.wait_dma2 semaphore(%run_scoped3A_15 : memref<!tpu.dma_semaphore, #tpu.memory_space<semaphore_mem>>) src(%dma_wait3A_21 : memref<640x16xf32, #tpu.memory_space<hbm>>) dst(%dma_wait3A_19 : memref<640x16xf32, #tpu.memory_space<vmem_shared>>)
      tpu.yield
    }) : () -> ()
    "tpu.region"() ({
      %run_scoped3A_15 = tpu.sem_alloc : memref<!tpu.dma_semaphore, #tpu.memory_space<semaphore_mem>>
      tpu.enqueue_dma source(%arg3 : memref<100x16xf32, #tpu.memory_space<hbm>>) target(%arg8 : memref<100x16xf32, #tpu.memory_space<vmem>>) target_semaphore(%run_scoped3A_15 : memref<!tpu.dma_semaphore, #tpu.memory_space<semaphore_mem>>)
      tpu.wait_dma2 semaphore(%run_scoped3A_15 : memref<!tpu.dma_semaphore, #tpu.memory_space<semaphore_mem>>) src(%arg3 : memref<100x16xf32, #tpu.memory_space<hbm>>) dst(%arg8 : memref<100x16xf32, #tpu.memory_space<vmem>>)
      tpu.yield
    }) : () -> ()
    %run_scoped3A = arith.constant 1 : i32
    "tpu.region"() ({
      %run_scoped3A_15 = tpu.sem_alloc : memref<!tpu.dma_semaphore, #tpu.memory_space<semaphore_mem>>
      %dma_start3A = arith.constant 0 : i32
      %dma_start3A_16 = arith.constant 0 : i32
      %dma_start3A_17 = tpu.memref_slice %arg2[%run_scoped3A, %add3A, %dma_start3A, %dma_start3A_16] : memref<2x32x100x100xi32, #tpu.memory_space<hbm>> -> memref<1x1x100x100xi32, #tpu.memory_space<hbm>>
      %dma_start3A_18 = tpu.memref_squeeze %dma_start3A_17 : memref<1x1x100x100xi32, #tpu.memory_space<hbm>> -> memref<100x100xi32, #tpu.memory_space<hbm>>
      %dma_start3A_19 = arith.constant 0 : i32
      %dma_start3A_20 = arith.constant 0 : i32
      %dma_start3A_21 = tpu.memref_slice %arg2[%run_scoped3A, %add3A, %dma_start3A_19, %dma_start3A_20] : memref<2x32x100x100xi32, #tpu.memory_space<hbm>> -> memref<1x1x100x100xi32, #tpu.memory_space<hbm>>
      %dma_start3A_22 = tpu.memref_squeeze %dma_start3A_21 : memref<1x1x100x100xi32, #tpu.memory_space<hbm>> -> memref<100x100xi32, #tpu.memory_space<hbm>>
      tpu.enqueue_dma source(%dma_start3A_22 : memref<100x100xi32, #tpu.memory_space<hbm>>) target(%arg7 : memref<100x100xi32, #tpu.memory_space<vmem>>) target_semaphore(%run_scoped3A_15 : memref<!tpu.dma_semaphore, #tpu.memory_space<semaphore_mem>>)
      %dma_wait3A = arith.constant 0 : i32
      %dma_wait3A_23 = arith.constant 0 : i32
      %dma_wait3A_24 = tpu.memref_slice %arg2[%run_scoped3A, %add3A, %dma_wait3A, %dma_wait3A_23] : memref<2x32x100x100xi32, #tpu.memory_space<hbm>> -> memref<1x1x100x100xi32, #tpu.memory_space<hbm>>
      %dma_wait3A_25 = tpu.memref_squeeze %dma_wait3A_24 : memref<1x1x100x100xi32, #tpu.memory_space<hbm>> -> memref<100x100xi32, #tpu.memory_space<hbm>>
      %dma_wait3A_26 = arith.constant 0 : i32
      %dma_wait3A_27 = arith.constant 0 : i32
      %dma_wait3A_28 = tpu.memref_slice %arg2[%run_scoped3A, %add3A, %dma_wait3A_26, %dma_wait3A_27] : memref<2x32x100x100xi32, #tpu.memory_space<hbm>> -> memref<1x1x100x100xi32, #tpu.memory_space<hbm>>
      %dma_wait3A_29 = tpu.memref_squeeze %dma_wait3A_28 : memref<1x1x100x100xi32, #tpu.memory_space<hbm>> -> memref<100x100xi32, #tpu.memory_space<hbm>>
      tpu.wait_dma2 semaphore(%run_scoped3A_15 : memref<!tpu.dma_semaphore, #tpu.memory_space<semaphore_mem>>) src(%dma_wait3A_29 : memref<100x100xi32, #tpu.memory_space<hbm>>) dst(%arg7 : memref<100x100xi32, #tpu.memory_space<vmem>>)
      tpu.yield
    }) : () -> ()
    %barrier3A = arith.constant 0 : index
    tpu.barrier barrier_id(%barrier3A)
    %scan3A = arith.constant 0 : i32
    %scan3A_3 = arith.constant 0 : i32
    %scan3A_4 = arith.constant 100 : i32
    %scan3A_5 = arith.addi %scan3A_3, %scan3A_4 : i32
    %scan3A_6 = arith.constant 1 : i32
    scf.for %scan3A_15 = %scan3A_3 to %scan3A_5 step %scan3A_6  : i32 {
      %dma_start3A = arith.constant 0 : i32
      %dma_start3A_16 = tpu.memref_slice %arg7[%scan3A_15, %dma_start3A] : memref<100x100xi32, #tpu.memory_space<vmem>> -> memref<1x100xi32, #tpu.memory_space<vmem>>
      %dma_start3A_17 = tpu.memref_squeeze %dma_start3A_16 : memref<1x100xi32, #tpu.memory_space<vmem>> -> memref<100xi32, #tpu.memory_space<vmem>>
      %dma_start3A_18 = arith.constant 0 : i32
      %dma_start3A_19 = arith.constant 0 : i32
      %dma_start3A_20 = tpu.memref_slice %arg6[%dma_start3A_18, %dma_start3A_19] : memref<10240x16xf32, #tpu.memory_space<vmem_shared>> -> memref<10240x16xf32, #tpu.memory_space<vmem_shared>>
      tpu.enqueue_indirect_dma source(%arg8 : memref<100x16xf32, #tpu.memory_space<vmem>>) target(%dma_start3A_20 : memref<10240x16xf32, #tpu.memory_space<vmem_shared>>) offsets(%dma_start3A_17 : memref<100xi32, #tpu.memory_space<vmem>>) semaphore(%arg9 : memref<!tpu.dma_semaphore, #tpu.memory_space<semaphore_mem>>) {add = true}
    }
    %scan3A_7 = arith.constant 100 : i32
    %scan3A_8 = arith.constant 0 : i32
    %scan3A_9 = arith.constant 0 : i32
    %scan3A_10 = arith.constant 100 : i32
    %scan3A_11 = arith.addi %scan3A_9, %scan3A_10 : i32
    %scan3A_12 = arith.constant 1 : i32
    scf.for %scan3A_15 = %scan3A_9 to %scan3A_11 step %scan3A_12  : i32 {
      %dma_wait3A = arith.constant 0 : i32
      %dma_wait3A_16 = arith.constant 0 : i32
      %dma_wait3A_17 = tpu.memref_slice %arg7[%dma_wait3A, %dma_wait3A_16] : memref<100x100xi32, #tpu.memory_space<vmem>> -> memref<1x100xi32, #tpu.memory_space<vmem>>
      %dma_wait3A_18 = tpu.memref_squeeze %dma_wait3A_17 : memref<1x100xi32, #tpu.memory_space<vmem>> -> memref<100xi32, #tpu.memory_space<vmem>>
      %dma_wait3A_19 = arith.constant 0 : i32
      %dma_wait3A_20 = arith.constant 0 : i32
      %dma_wait3A_21 = tpu.memref_slice %arg6[%dma_wait3A_19, %dma_wait3A_20] : memref<10240x16xf32, #tpu.memory_space<vmem_shared>> -> memref<10240x16xf32, #tpu.memory_space<vmem_shared>>
      tpu.wait_indirect_dma semaphore(%arg9 : memref<!tpu.dma_semaphore, #tpu.memory_space<semaphore_mem>>) src(%arg8 : memref<100x16xf32, #tpu.memory_space<vmem>>) dst(%dma_wait3A_21 : memref<10240x16xf32, #tpu.memory_space<vmem_shared>>)
    }
    %scan3A_13 = arith.constant 100 : i32
    %barrier3A_14 = arith.constant 0 : index
    tpu.barrier barrier_id(%barrier3A_14)
    "tpu.region"() ({
      %run_scoped3A_15 = tpu.sem_alloc : memref<!tpu.dma_semaphore, #tpu.memory_space<semaphore_mem>>
      %dma_start3A = arith.constant 0 : i32
      %dma_start3A_16 = tpu.memref_slice %arg5[%arg0, %mul3A_2, %dma_start3A] : memref<2x10240x16xf32, #tpu.memory_space<hbm>> -> memref<1x640x16xf32, #tpu.memory_space<hbm>>
      %dma_start3A_17 = tpu.memref_squeeze %dma_start3A_16 : memref<1x640x16xf32, #tpu.memory_space<hbm>> -> memref<640x16xf32, #tpu.memory_space<hbm>>
      %dma_start3A_18 = arith.constant 0 : i32
      %dma_start3A_19 = tpu.memref_slice %arg6[%mul3A_2, %dma_start3A_18] : memref<10240x16xf32, #tpu.memory_space<vmem_shared>> -> memref<640x16xf32, #tpu.memory_space<vmem_shared>>
      tpu.enqueue_dma source(%dma_start3A_19 : memref<640x16xf32, #tpu.memory_space<vmem_shared>>) target(%dma_start3A_17 : memref<640x16xf32, #tpu.memory_space<hbm>>) target_semaphore(%run_scoped3A_15 : memref<!tpu.dma_semaphore, #tpu.memory_space<semaphore_mem>>)
      %dma_wait3A = arith.constant 0 : i32
      %dma_wait3A_20 = tpu.memref_slice %arg5[%arg0, %mul3A_2, %dma_wait3A] : memref<2x10240x16xf32, #tpu.memory_space<hbm>> -> memref<1x640x16xf32, #tpu.memory_space<hbm>>
      %dma_wait3A_21 = tpu.memref_squeeze %dma_wait3A_20 : memref<1x640x16xf32, #tpu.memory_space<hbm>> -> memref<640x16xf32, #tpu.memory_space<hbm>>
      %dma_wait3A_22 = arith.constant 0 : i32
      %dma_wait3A_23 = tpu.memref_slice %arg6[%mul3A_2, %dma_wait3A_22] : memref<10240x16xf32, #tpu.memory_space<vmem_shared>> -> memref<640x16xf32, #tpu.memory_space<vmem_shared>>
      tpu.wait_dma2 semaphore(%run_scoped3A_15 : memref<!tpu.dma_semaphore, #tpu.memory_space<semaphore_mem>>) src(%dma_wait3A_23 : memref<640x16xf32, #tpu.memory_space<vmem_shared>>) dst(%dma_wait3A_21 : memref<640x16xf32, #tpu.memory_space<hbm>>)
      tpu.yield
    }) : () -> ()
    return
  }
}

#map = affine_map<(d0, d1) -> (0, 0)>
#map1 = affine_map<(d0, d1) -> (0, 0, 0, 0)>
#map2 = affine_map<(d0, d1) -> (0, 0, 0)>
module attributes {stable_mosaic.version = 14 : i64} {
  func.func @_hop_body(%arg0: i32, %arg1: i32, %arg2: memref<10000x128xf32, #tpu.memory_space<hbm>>, %arg3: memref<2x32x100x100xi32, #tpu.memory_space<hbm>>, %arg4: memref<10240x128xf32, #tpu.memory_space<hbm>>, %arg5: memref<2x10240x128xf32, #tpu.memory_space<hbm>>, %arg6: memref<10240x128xf32, #tpu.memory_space<vmem_shared>>, %arg7: memref<100x100xi32, #tpu.memory_space<vmem>>, %arg8: memref<100x100xi32, #tpu.memory_space<vmem>>, %arg9: memref<100x128xf32, #tpu.memory_space<vmem>>, %arg10: memref<100x128xf32, #tpu.memory_space<vmem>>, %arg11: memref<!tpu.dma_semaphore, #tpu.memory_space<semaphore_mem>>, %arg12: memref<!tpu.dma_semaphore, #tpu.memory_space<semaphore_mem>>, %arg13: memref<!tpu.dma_semaphore, #tpu.memory_space<semaphore_mem>>, %arg14: memref<!tpu.dma_semaphore, #tpu.memory_space<semaphore_mem>>) attributes {dimension_semantics = [#tpu.dimension_semantics<core_parallel>, #tpu.dimension_semantics<subcore_parallel>], iteration_bounds = array<i64: 2, 16>, scalar_prefetch = 0 : i64, scratch_operands = 9 : i64, tpu.core_type = #tpu.core_type<sc_vector_subcore>, window_params = [{transform_indices = #map}, {transform_indices = #map1}, {transform_indices = #map}, {transform_indices = #map2}]} {
    %mul3A = arith.constant 2 : i32
    %mul3A_0 = arith.muli %arg1, %mul3A : i32
    %add3A = arith.addi %mul3A_0, %arg0 : i32
    %mul3A_1 = arith.constant 640 : i32
    %mul3A_2 = arith.muli %arg1, %mul3A_1 : i32
    %run_scoped3A = arith.constant 0 : i32
    "tpu.region"() ({
      %run_scoped3A_23 = tpu.sem_alloc : memref<!tpu.dma_semaphore, #tpu.memory_space<semaphore_mem>>
      %dma_start3A_24 = arith.constant 0 : i32
      %dma_start3A_25 = arith.constant 0 : i32
      %dma_start3A_26 = tpu.memref_slice %arg3[%run_scoped3A, %add3A, %dma_start3A_24, %dma_start3A_25] : memref<2x32x100x100xi32, #tpu.memory_space<hbm>> -> memref<1x1x100x100xi32, #tpu.memory_space<hbm>>
      %dma_start3A_27 = tpu.memref_squeeze %dma_start3A_26 : memref<1x1x100x100xi32, #tpu.memory_space<hbm>> -> memref<100x100xi32, #tpu.memory_space<hbm>>
      %dma_start3A_28 = arith.constant 0 : i32
      %dma_start3A_29 = arith.constant 0 : i32
      %dma_start3A_30 = tpu.memref_slice %arg3[%run_scoped3A, %add3A, %dma_start3A_28, %dma_start3A_29] : memref<2x32x100x100xi32, #tpu.memory_space<hbm>> -> memref<1x1x100x100xi32, #tpu.memory_space<hbm>>
      %dma_start3A_31 = tpu.memref_squeeze %dma_start3A_30 : memref<1x1x100x100xi32, #tpu.memory_space<hbm>> -> memref<100x100xi32, #tpu.memory_space<hbm>>
      tpu.enqueue_dma source(%dma_start3A_31 : memref<100x100xi32, #tpu.memory_space<hbm>>) target(%arg7 : memref<100x100xi32, #tpu.memory_space<vmem>>) target_semaphore(%run_scoped3A_23 : memref<!tpu.dma_semaphore, #tpu.memory_space<semaphore_mem>>)
      %dma_wait3A = arith.constant 0 : i32
      %dma_wait3A_32 = arith.constant 0 : i32
      %dma_wait3A_33 = tpu.memref_slice %arg3[%run_scoped3A, %add3A, %dma_wait3A, %dma_wait3A_32] : memref<2x32x100x100xi32, #tpu.memory_space<hbm>> -> memref<1x1x100x100xi32, #tpu.memory_space<hbm>>
      %dma_wait3A_34 = tpu.memref_squeeze %dma_wait3A_33 : memref<1x1x100x100xi32, #tpu.memory_space<hbm>> -> memref<100x100xi32, #tpu.memory_space<hbm>>
      %dma_wait3A_35 = arith.constant 0 : i32
      %dma_wait3A_36 = arith.constant 0 : i32
      %dma_wait3A_37 = tpu.memref_slice %arg3[%run_scoped3A, %add3A, %dma_wait3A_35, %dma_wait3A_36] : memref<2x32x100x100xi32, #tpu.memory_space<hbm>> -> memref<1x1x100x100xi32, #tpu.memory_space<hbm>>
      %dma_wait3A_38 = tpu.memref_squeeze %dma_wait3A_37 : memref<1x1x100x100xi32, #tpu.memory_space<hbm>> -> memref<100x100xi32, #tpu.memory_space<hbm>>
      tpu.wait_dma2 semaphore(%run_scoped3A_23 : memref<!tpu.dma_semaphore, #tpu.memory_space<semaphore_mem>>) src(%dma_wait3A_38 : memref<100x100xi32, #tpu.memory_space<hbm>>) dst(%arg7 : memref<100x100xi32, #tpu.memory_space<vmem>>)
      tpu.yield
    }) : () -> ()
    %run_scoped3A_3 = arith.constant 1 : i32
    "tpu.region"() ({
      %run_scoped3A_23 = tpu.sem_alloc : memref<!tpu.dma_semaphore, #tpu.memory_space<semaphore_mem>>
      %dma_start3A_24 = arith.constant 0 : i32
      %dma_start3A_25 = arith.constant 0 : i32
      %dma_start3A_26 = tpu.memref_slice %arg3[%run_scoped3A_3, %add3A, %dma_start3A_24, %dma_start3A_25] : memref<2x32x100x100xi32, #tpu.memory_space<hbm>> -> memref<1x1x100x100xi32, #tpu.memory_space<hbm>>
      %dma_start3A_27 = tpu.memref_squeeze %dma_start3A_26 : memref<1x1x100x100xi32, #tpu.memory_space<hbm>> -> memref<100x100xi32, #tpu.memory_space<hbm>>
      %dma_start3A_28 = arith.constant 0 : i32
      %dma_start3A_29 = arith.constant 0 : i32
      %dma_start3A_30 = tpu.memref_slice %arg3[%run_scoped3A_3, %add3A, %dma_start3A_28, %dma_start3A_29] : memref<2x32x100x100xi32, #tpu.memory_space<hbm>> -> memref<1x1x100x100xi32, #tpu.memory_space<hbm>>
      %dma_start3A_31 = tpu.memref_squeeze %dma_start3A_30 : memref<1x1x100x100xi32, #tpu.memory_space<hbm>> -> memref<100x100xi32, #tpu.memory_space<hbm>>
      tpu.enqueue_dma source(%dma_start3A_31 : memref<100x100xi32, #tpu.memory_space<hbm>>) target(%arg8 : memref<100x100xi32, #tpu.memory_space<vmem>>) target_semaphore(%run_scoped3A_23 : memref<!tpu.dma_semaphore, #tpu.memory_space<semaphore_mem>>)
      %dma_wait3A = arith.constant 0 : i32
      %dma_wait3A_32 = arith.constant 0 : i32
      %dma_wait3A_33 = tpu.memref_slice %arg3[%run_scoped3A_3, %add3A, %dma_wait3A, %dma_wait3A_32] : memref<2x32x100x100xi32, #tpu.memory_space<hbm>> -> memref<1x1x100x100xi32, #tpu.memory_space<hbm>>
      %dma_wait3A_34 = tpu.memref_squeeze %dma_wait3A_33 : memref<1x1x100x100xi32, #tpu.memory_space<hbm>> -> memref<100x100xi32, #tpu.memory_space<hbm>>
      %dma_wait3A_35 = arith.constant 0 : i32
      %dma_wait3A_36 = arith.constant 0 : i32
      %dma_wait3A_37 = tpu.memref_slice %arg3[%run_scoped3A_3, %add3A, %dma_wait3A_35, %dma_wait3A_36] : memref<2x32x100x100xi32, #tpu.memory_space<hbm>> -> memref<1x1x100x100xi32, #tpu.memory_space<hbm>>
      %dma_wait3A_38 = tpu.memref_squeeze %dma_wait3A_37 : memref<1x1x100x100xi32, #tpu.memory_space<hbm>> -> memref<100x100xi32, #tpu.memory_space<hbm>>
      tpu.wait_dma2 semaphore(%run_scoped3A_23 : memref<!tpu.dma_semaphore, #tpu.memory_space<semaphore_mem>>) src(%dma_wait3A_38 : memref<100x100xi32, #tpu.memory_space<hbm>>) dst(%arg8 : memref<100x100xi32, #tpu.memory_space<vmem>>)
      tpu.yield
    }) : () -> ()
    %dma_start3A = arith.constant 0 : i32
    %dma_start3A_4 = arith.constant 0 : i32
    %dma_start3A_5 = tpu.memref_slice %arg7[%dma_start3A, %dma_start3A_4] : memref<100x100xi32, #tpu.memory_space<vmem>> -> memref<1x100xi32, #tpu.memory_space<vmem>>
    %dma_start3A_6 = tpu.memref_squeeze %dma_start3A_5 : memref<1x100xi32, #tpu.memory_space<vmem>> -> memref<100xi32, #tpu.memory_space<vmem>>
    %dma_start3A_7 = arith.constant 0 : i32
    %dma_start3A_8 = arith.constant 0 : i32
    %dma_start3A_9 = tpu.memref_slice %arg2[%dma_start3A_7, %dma_start3A_8] : memref<10000x128xf32, #tpu.memory_space<hbm>> -> memref<10000x128xf32, #tpu.memory_space<hbm>>
    tpu.enqueue_indirect_dma source(%dma_start3A_9 : memref<10000x128xf32, #tpu.memory_space<hbm>>) target(%arg9 : memref<100x128xf32, #tpu.memory_space<vmem>>) offsets(%dma_start3A_6 : memref<100xi32, #tpu.memory_space<vmem>>) semaphore(%arg11 : memref<!tpu.dma_semaphore, #tpu.memory_space<semaphore_mem>>)
    %dma_start3A_10 = arith.constant 1 : i32
    %dma_start3A_11 = arith.constant 0 : i32
    %dma_start3A_12 = tpu.memref_slice %arg7[%dma_start3A_10, %dma_start3A_11] : memref<100x100xi32, #tpu.memory_space<vmem>> -> memref<1x100xi32, #tpu.memory_space<vmem>>
    %dma_start3A_13 = tpu.memref_squeeze %dma_start3A_12 : memref<1x100xi32, #tpu.memory_space<vmem>> -> memref<100xi32, #tpu.memory_space<vmem>>
    %dma_start3A_14 = arith.constant 0 : i32
    %dma_start3A_15 = arith.constant 0 : i32
    %dma_start3A_16 = tpu.memref_slice %arg2[%dma_start3A_14, %dma_start3A_15] : memref<10000x128xf32, #tpu.memory_space<hbm>> -> memref<10000x128xf32, #tpu.memory_space<hbm>>
    tpu.enqueue_indirect_dma source(%dma_start3A_16 : memref<10000x128xf32, #tpu.memory_space<hbm>>) target(%arg10 : memref<100x128xf32, #tpu.memory_space<vmem>>) offsets(%dma_start3A_13 : memref<100xi32, #tpu.memory_space<vmem>>) semaphore(%arg12 : memref<!tpu.dma_semaphore, #tpu.memory_space<semaphore_mem>>)
    "tpu.region"() ({
      %run_scoped3A_23 = tpu.sem_alloc : memref<!tpu.dma_semaphore, #tpu.memory_space<semaphore_mem>>
      %dma_start3A_24 = arith.constant 0 : i32
      %dma_start3A_25 = tpu.memref_slice %arg6[%mul3A_2, %dma_start3A_24] : memref<10240x128xf32, #tpu.memory_space<vmem_shared>> -> memref<640x128xf32, #tpu.memory_space<vmem_shared>>
      %dma_start3A_26 = arith.constant 0 : i32
      %dma_start3A_27 = tpu.memref_slice %arg4[%mul3A_2, %dma_start3A_26] : memref<10240x128xf32, #tpu.memory_space<hbm>> -> memref<640x128xf32, #tpu.memory_space<hbm>>
      tpu.enqueue_dma source(%dma_start3A_27 : memref<640x128xf32, #tpu.memory_space<hbm>>) target(%dma_start3A_25 : memref<640x128xf32, #tpu.memory_space<vmem_shared>>) target_semaphore(%run_scoped3A_23 : memref<!tpu.dma_semaphore, #tpu.memory_space<semaphore_mem>>)
      %dma_wait3A = arith.constant 0 : i32
      %dma_wait3A_28 = tpu.memref_slice %arg6[%mul3A_2, %dma_wait3A] : memref<10240x128xf32, #tpu.memory_space<vmem_shared>> -> memref<640x128xf32, #tpu.memory_space<vmem_shared>>
      %dma_wait3A_29 = arith.constant 0 : i32
      %dma_wait3A_30 = tpu.memref_slice %arg4[%mul3A_2, %dma_wait3A_29] : memref<10240x128xf32, #tpu.memory_space<hbm>> -> memref<640x128xf32, #tpu.memory_space<hbm>>
      tpu.wait_dma2 semaphore(%run_scoped3A_23 : memref<!tpu.dma_semaphore, #tpu.memory_space<semaphore_mem>>) src(%dma_wait3A_30 : memref<640x128xf32, #tpu.memory_space<hbm>>) dst(%dma_wait3A_28 : memref<640x128xf32, #tpu.memory_space<vmem_shared>>)
      tpu.yield
    }) : () -> ()
    %barrier3A = arith.constant 0 : index
    tpu.barrier barrier_id(%barrier3A)
    %scan3A = arith.constant 0 : i32
    %scan3A_17 = arith.constant 0 : i32
    %scan3A_18 = arith.constant 50 : i32
    %scan3A_19 = arith.addi %scan3A_17, %scan3A_18 : i32
    %scan3A_20 = arith.constant 1 : i32
    scf.for %scan3A_23 = %scan3A_17 to %scan3A_19 step %scan3A_20  : i32 {
      %mul3A_24 = arith.constant 2 : i32
      %mul3A_25 = arith.muli %mul3A_24, %scan3A_23 : i32
      %add3A_26 = arith.constant 1 : i32
      %add3A_27 = arith.addi %mul3A_25, %add3A_26 : i32
      %dma_wait3A = arith.constant 0 : i32
      %dma_wait3A_28 = tpu.memref_slice %arg7[%mul3A_25, %dma_wait3A] : memref<100x100xi32, #tpu.memory_space<vmem>> -> memref<1x100xi32, #tpu.memory_space<vmem>>
      %dma_wait3A_29 = tpu.memref_squeeze %dma_wait3A_28 : memref<1x100xi32, #tpu.memory_space<vmem>> -> memref<100xi32, #tpu.memory_space<vmem>>
      %dma_wait3A_30 = arith.constant 0 : i32
      %dma_wait3A_31 = arith.constant 0 : i32
      %dma_wait3A_32 = tpu.memref_slice %arg2[%dma_wait3A_30, %dma_wait3A_31] : memref<10000x128xf32, #tpu.memory_space<hbm>> -> memref<10000x128xf32, #tpu.memory_space<hbm>>
      tpu.wait_indirect_dma semaphore(%arg11 : memref<!tpu.dma_semaphore, #tpu.memory_space<semaphore_mem>>) src(%dma_wait3A_32 : memref<10000x128xf32, #tpu.memory_space<hbm>>) dst(%arg9 : memref<100x128xf32, #tpu.memory_space<vmem>>)
      "tpu.region"() ({
        %run_scoped3A_50 = tpu.sem_alloc : memref<!tpu.dma_semaphore, #tpu.memory_space<semaphore_mem>>
        %dma_start3A_51 = arith.constant 0 : i32
        %dma_start3A_52 = tpu.memref_slice %arg8[%mul3A_25, %dma_start3A_51] : memref<100x100xi32, #tpu.memory_space<vmem>> -> memref<1x100xi32, #tpu.memory_space<vmem>>
        %dma_start3A_53 = tpu.memref_squeeze %dma_start3A_52 : memref<1x100xi32, #tpu.memory_space<vmem>> -> memref<100xi32, #tpu.memory_space<vmem>>
        %dma_start3A_54 = arith.constant 0 : i32
        %dma_start3A_55 = arith.constant 0 : i32
        %dma_start3A_56 = tpu.memref_slice %arg6[%dma_start3A_54, %dma_start3A_55] : memref<10240x128xf32, #tpu.memory_space<vmem_shared>> -> memref<10240x128xf32, #tpu.memory_space<vmem_shared>>
        tpu.enqueue_indirect_dma source(%arg9 : memref<100x128xf32, #tpu.memory_space<vmem>>) target(%dma_start3A_56 : memref<10240x128xf32, #tpu.memory_space<vmem_shared>>) offsets(%dma_start3A_53 : memref<100xi32, #tpu.memory_space<vmem>>) semaphore(%run_scoped3A_50 : memref<!tpu.dma_semaphore, #tpu.memory_space<semaphore_mem>>) {add = true}
        %dma_wait3A_57 = arith.constant 0 : i32
        %dma_wait3A_58 = tpu.memref_slice %arg8[%mul3A_25, %dma_wait3A_57] : memref<100x100xi32, #tpu.memory_space<vmem>> -> memref<1x100xi32, #tpu.memory_space<vmem>>
        %dma_wait3A_59 = tpu.memref_squeeze %dma_wait3A_58 : memref<1x100xi32, #tpu.memory_space<vmem>> -> memref<100xi32, #tpu.memory_space<vmem>>
        %dma_wait3A_60 = arith.constant 0 : i32
        %dma_wait3A_61 = arith.constant 0 : i32
        %dma_wait3A_62 = tpu.memref_slice %arg6[%dma_wait3A_60, %dma_wait3A_61] : memref<10240x128xf32, #tpu.memory_space<vmem_shared>> -> memref<10240x128xf32, #tpu.memory_space<vmem_shared>>
        tpu.wait_indirect_dma semaphore(%run_scoped3A_50 : memref<!tpu.dma_semaphore, #tpu.memory_space<semaphore_mem>>) src(%arg9 : memref<100x128xf32, #tpu.memory_space<vmem>>) dst(%dma_wait3A_62 : memref<10240x128xf32, #tpu.memory_space<vmem_shared>>)
        tpu.yield
      }) : () -> ()
      %add3A_33 = arith.constant 2 : i32
      %add3A_34 = arith.addi %mul3A_25, %add3A_33 : i32
      %lt3A = arith.constant 100 : i32
      %lt3A_35 = arith.cmpi slt, %add3A_34, %lt3A : i32
      %convert_element_type3A = arith.extui %lt3A_35 : i1 to i32
      %cond3A = arith.constant 0 : i32
      %cond3A_36 = arith.cmpi ne, %convert_element_type3A, %cond3A : i32
      scf.if %cond3A_36 {
        %add3A_50 = arith.constant 2 : i32
        %add3A_51 = arith.addi %mul3A_25, %add3A_50 : i32
        %dma_start3A_52 = arith.constant 0 : i32
        %dma_start3A_53 = tpu.memref_slice %arg7[%add3A_51, %dma_start3A_52] : memref<100x100xi32, #tpu.memory_space<vmem>> -> memref<1x100xi32, #tpu.memory_space<vmem>>
        %dma_start3A_54 = tpu.memref_squeeze %dma_start3A_53 : memref<1x100xi32, #tpu.memory_space<vmem>> -> memref<100xi32, #tpu.memory_space<vmem>>
        %dma_start3A_55 = arith.constant 0 : i32
        %dma_start3A_56 = arith.constant 0 : i32
        %dma_start3A_57 = tpu.memref_slice %arg2[%dma_start3A_55, %dma_start3A_56] : memref<10000x128xf32, #tpu.memory_space<hbm>> -> memref<10000x128xf32, #tpu.memory_space<hbm>>
        tpu.enqueue_indirect_dma source(%dma_start3A_57 : memref<10000x128xf32, #tpu.memory_space<hbm>>) target(%arg9 : memref<100x128xf32, #tpu.memory_space<vmem>>) offsets(%dma_start3A_54 : memref<100xi32, #tpu.memory_space<vmem>>) semaphore(%arg11 : memref<!tpu.dma_semaphore, #tpu.memory_space<semaphore_mem>>)
      } else {
      }
      %dma_wait3A_37 = arith.constant 0 : i32
      %dma_wait3A_38 = tpu.memref_slice %arg7[%add3A_27, %dma_wait3A_37] : memref<100x100xi32, #tpu.memory_space<vmem>> -> memref<1x100xi32, #tpu.memory_space<vmem>>
      %dma_wait3A_39 = tpu.memref_squeeze %dma_wait3A_38 : memref<1x100xi32, #tpu.memory_space<vmem>> -> memref<100xi32, #tpu.memory_space<vmem>>
      %dma_wait3A_40 = arith.constant 0 : i32
      %dma_wait3A_41 = arith.constant 0 : i32
      %dma_wait3A_42 = tpu.memref_slice %arg2[%dma_wait3A_40, %dma_wait3A_41] : memref<10000x128xf32, #tpu.memory_space<hbm>> -> memref<10000x128xf32, #tpu.memory_space<hbm>>
      tpu.wait_indirect_dma semaphore(%arg12 : memref<!tpu.dma_semaphore, #tpu.memory_space<semaphore_mem>>) src(%dma_wait3A_42 : memref<10000x128xf32, #tpu.memory_space<hbm>>) dst(%arg10 : memref<100x128xf32, #tpu.memory_space<vmem>>)
      "tpu.region"() ({
        %run_scoped3A_50 = tpu.sem_alloc : memref<!tpu.dma_semaphore, #tpu.memory_space<semaphore_mem>>
        %dma_start3A_51 = arith.constant 0 : i32
        %dma_start3A_52 = tpu.memref_slice %arg8[%add3A_27, %dma_start3A_51] : memref<100x100xi32, #tpu.memory_space<vmem>> -> memref<1x100xi32, #tpu.memory_space<vmem>>
        %dma_start3A_53 = tpu.memref_squeeze %dma_start3A_52 : memref<1x100xi32, #tpu.memory_space<vmem>> -> memref<100xi32, #tpu.memory_space<vmem>>
        %dma_start3A_54 = arith.constant 0 : i32
        %dma_start3A_55 = arith.constant 0 : i32
        %dma_start3A_56 = tpu.memref_slice %arg6[%dma_start3A_54, %dma_start3A_55] : memref<10240x128xf32, #tpu.memory_space<vmem_shared>> -> memref<10240x128xf32, #tpu.memory_space<vmem_shared>>
        tpu.enqueue_indirect_dma source(%arg10 : memref<100x128xf32, #tpu.memory_space<vmem>>) target(%dma_start3A_56 : memref<10240x128xf32, #tpu.memory_space<vmem_shared>>) offsets(%dma_start3A_53 : memref<100xi32, #tpu.memory_space<vmem>>) semaphore(%run_scoped3A_50 : memref<!tpu.dma_semaphore, #tpu.memory_space<semaphore_mem>>) {add = true}
        %dma_wait3A_57 = arith.constant 0 : i32
        %dma_wait3A_58 = tpu.memref_slice %arg8[%add3A_27, %dma_wait3A_57] : memref<100x100xi32, #tpu.memory_space<vmem>> -> memref<1x100xi32, #tpu.memory_space<vmem>>
        %dma_wait3A_59 = tpu.memref_squeeze %dma_wait3A_58 : memref<1x100xi32, #tpu.memory_space<vmem>> -> memref<100xi32, #tpu.memory_space<vmem>>
        %dma_wait3A_60 = arith.constant 0 : i32
        %dma_wait3A_61 = arith.constant 0 : i32
        %dma_wait3A_62 = tpu.memref_slice %arg6[%dma_wait3A_60, %dma_wait3A_61] : memref<10240x128xf32, #tpu.memory_space<vmem_shared>> -> memref<10240x128xf32, #tpu.memory_space<vmem_shared>>
        tpu.wait_indirect_dma semaphore(%run_scoped3A_50 : memref<!tpu.dma_semaphore, #tpu.memory_space<semaphore_mem>>) src(%arg10 : memref<100x128xf32, #tpu.memory_space<vmem>>) dst(%dma_wait3A_62 : memref<10240x128xf32, #tpu.memory_space<vmem_shared>>)
        tpu.yield
      }) : () -> ()
      %add3A_43 = arith.constant 2 : i32
      %add3A_44 = arith.addi %add3A_27, %add3A_43 : i32
      %lt3A_45 = arith.constant 100 : i32
      %lt3A_46 = arith.cmpi slt, %add3A_44, %lt3A_45 : i32
      %convert_element_type3A_47 = arith.extui %lt3A_46 : i1 to i32
      %cond3A_48 = arith.constant 0 : i32
      %cond3A_49 = arith.cmpi ne, %convert_element_type3A_47, %cond3A_48 : i32
      scf.if %cond3A_49 {
        %add3A_50 = arith.constant 2 : i32
        %add3A_51 = arith.addi %add3A_27, %add3A_50 : i32
        %dma_start3A_52 = arith.constant 0 : i32
        %dma_start3A_53 = tpu.memref_slice %arg7[%add3A_51, %dma_start3A_52] : memref<100x100xi32, #tpu.memory_space<vmem>> -> memref<1x100xi32, #tpu.memory_space<vmem>>
        %dma_start3A_54 = tpu.memref_squeeze %dma_start3A_53 : memref<1x100xi32, #tpu.memory_space<vmem>> -> memref<100xi32, #tpu.memory_space<vmem>>
        %dma_start3A_55 = arith.constant 0 : i32
        %dma_start3A_56 = arith.constant 0 : i32
        %dma_start3A_57 = tpu.memref_slice %arg2[%dma_start3A_55, %dma_start3A_56] : memref<10000x128xf32, #tpu.memory_space<hbm>> -> memref<10000x128xf32, #tpu.memory_space<hbm>>
        tpu.enqueue_indirect_dma source(%dma_start3A_57 : memref<10000x128xf32, #tpu.memory_space<hbm>>) target(%arg10 : memref<100x128xf32, #tpu.memory_space<vmem>>) offsets(%dma_start3A_54 : memref<100xi32, #tpu.memory_space<vmem>>) semaphore(%arg12 : memref<!tpu.dma_semaphore, #tpu.memory_space<semaphore_mem>>)
      } else {
      }
    }
    %scan3A_21 = arith.constant 50 : i32
    %barrier3A_22 = arith.constant 0 : index
    tpu.barrier barrier_id(%barrier3A_22)
    "tpu.region"() ({
      %run_scoped3A_23 = tpu.sem_alloc : memref<!tpu.dma_semaphore, #tpu.memory_space<semaphore_mem>>
      %dma_start3A_24 = arith.constant 0 : i32
      %dma_start3A_25 = tpu.memref_slice %arg5[%arg0, %mul3A_2, %dma_start3A_24] : memref<2x10240x128xf32, #tpu.memory_space<hbm>> -> memref<1x640x128xf32, #tpu.memory_space<hbm>>
      %dma_start3A_26 = tpu.memref_squeeze %dma_start3A_25 : memref<1x640x128xf32, #tpu.memory_space<hbm>> -> memref<640x128xf32, #tpu.memory_space<hbm>>
      %dma_start3A_27 = arith.constant 0 : i32
      %dma_start3A_28 = tpu.memref_slice %arg6[%mul3A_2, %dma_start3A_27] : memref<10240x128xf32, #tpu.memory_space<vmem_shared>> -> memref<640x128xf32, #tpu.memory_space<vmem_shared>>
      tpu.enqueue_dma source(%dma_start3A_28 : memref<640x128xf32, #tpu.memory_space<vmem_shared>>) target(%dma_start3A_26 : memref<640x128xf32, #tpu.memory_space<hbm>>) target_semaphore(%run_scoped3A_23 : memref<!tpu.dma_semaphore, #tpu.memory_space<semaphore_mem>>)
      %dma_wait3A = arith.constant 0 : i32
      %dma_wait3A_29 = tpu.memref_slice %arg5[%arg0, %mul3A_2, %dma_wait3A] : memref<2x10240x128xf32, #tpu.memory_space<hbm>> -> memref<1x640x128xf32, #tpu.memory_space<hbm>>
      %dma_wait3A_30 = tpu.memref_squeeze %dma_wait3A_29 : memref<1x640x128xf32, #tpu.memory_space<hbm>> -> memref<640x128xf32, #tpu.memory_space<hbm>>
      %dma_wait3A_31 = arith.constant 0 : i32
      %dma_wait3A_32 = tpu.memref_slice %arg6[%mul3A_2, %dma_wait3A_31] : memref<10240x128xf32, #tpu.memory_space<vmem_shared>> -> memref<640x128xf32, #tpu.memory_space<vmem_shared>>
      tpu.wait_dma2 semaphore(%run_scoped3A_23 : memref<!tpu.dma_semaphore, #tpu.memory_space<semaphore_mem>>) src(%dma_wait3A_32 : memref<640x128xf32, #tpu.memory_space<vmem_shared>>) dst(%dma_wait3A_30 : memref<640x128xf32, #tpu.memory_space<hbm>>)
      tpu.yield
    }) : () -> ()
    return
  }
}

#map = affine_map<(d0, d1) -> (0, 0)>
#map1 = affine_map<(d0, d1) -> (0, 0, 0, 0)>
#map2 = affine_map<(d0, d1) -> (0, 0, 0)>
module attributes {stable_mosaic.version = 14 : i64} {
  func.func @_hop_body(%arg0: i32, %arg1: i32, %arg2: memref<10000x128xf32, #tpu.memory_space<hbm>>, %arg3: memref<2x32x100x100xi32, #tpu.memory_space<hbm>>, %arg4: memref<10240x128xf32, #tpu.memory_space<hbm>>, %arg5: memref<2x10240x128xf32, #tpu.memory_space<hbm>>, %arg6: memref<10240x128xf32, #tpu.memory_space<vmem_shared>>, %arg7: memref<100x100xi32, #tpu.memory_space<vmem>>, %arg8: memref<100x100xi32, #tpu.memory_space<vmem>>, %arg9: memref<100x128xf32, #tpu.memory_space<vmem>>, %arg10: memref<100x128xf32, #tpu.memory_space<vmem>>, %arg11: memref<!tpu.dma_semaphore, #tpu.memory_space<semaphore_mem>>, %arg12: memref<!tpu.dma_semaphore, #tpu.memory_space<semaphore_mem>>, %arg13: memref<!tpu.dma_semaphore, #tpu.memory_space<semaphore_mem>>, %arg14: memref<!tpu.dma_semaphore, #tpu.memory_space<semaphore_mem>>) attributes {dimension_semantics = [#tpu.dimension_semantics<core_parallel>, #tpu.dimension_semantics<subcore_parallel>], iteration_bounds = array<i64: 2, 16>, scalar_prefetch = 0 : i64, scratch_operands = 9 : i64, tpu.core_type = #tpu.core_type<sc_vector_subcore>, window_params = [{transform_indices = #map}, {transform_indices = #map1}, {transform_indices = #map}, {transform_indices = #map2}]} {
    %mul3A = arith.constant 2 : i32
    %mul3A_0 = arith.muli %arg1, %mul3A : i32
    %add3A = arith.addi %mul3A_0, %arg0 : i32
    %mul3A_1 = arith.constant 640 : i32
    %mul3A_2 = arith.muli %arg1, %mul3A_1 : i32
    %run_scoped3A = arith.constant 0 : i32
    "tpu.region"() ({
      %run_scoped3A_23 = tpu.sem_alloc : memref<!tpu.dma_semaphore, #tpu.memory_space<semaphore_mem>>
      %dma_start3A_24 = arith.constant 0 : i32
      %dma_start3A_25 = arith.constant 0 : i32
      %dma_start3A_26 = tpu.memref_slice %arg3[%run_scoped3A, %add3A, %dma_start3A_24, %dma_start3A_25] : memref<2x32x100x100xi32, #tpu.memory_space<hbm>> -> memref<1x1x100x100xi32, #tpu.memory_space<hbm>>
      %dma_start3A_27 = tpu.memref_squeeze %dma_start3A_26 : memref<1x1x100x100xi32, #tpu.memory_space<hbm>> -> memref<100x100xi32, #tpu.memory_space<hbm>>
      %dma_start3A_28 = arith.constant 0 : i32
      %dma_start3A_29 = arith.constant 0 : i32
      %dma_start3A_30 = tpu.memref_slice %arg3[%run_scoped3A, %add3A, %dma_start3A_28, %dma_start3A_29] : memref<2x32x100x100xi32, #tpu.memory_space<hbm>> -> memref<1x1x100x100xi32, #tpu.memory_space<hbm>>
      %dma_start3A_31 = tpu.memref_squeeze %dma_start3A_30 : memref<1x1x100x100xi32, #tpu.memory_space<hbm>> -> memref<100x100xi32, #tpu.memory_space<hbm>>
      tpu.enqueue_dma source(%dma_start3A_31 : memref<100x100xi32, #tpu.memory_space<hbm>>) target(%arg7 : memref<100x100xi32, #tpu.memory_space<vmem>>) target_semaphore(%run_scoped3A_23 : memref<!tpu.dma_semaphore, #tpu.memory_space<semaphore_mem>>)
      %dma_wait3A = arith.constant 0 : i32
      %dma_wait3A_32 = arith.constant 0 : i32
      %dma_wait3A_33 = tpu.memref_slice %arg3[%run_scoped3A, %add3A, %dma_wait3A, %dma_wait3A_32] : memref<2x32x100x100xi32, #tpu.memory_space<hbm>> -> memref<1x1x100x100xi32, #tpu.memory_space<hbm>>
      %dma_wait3A_34 = tpu.memref_squeeze %dma_wait3A_33 : memref<1x1x100x100xi32, #tpu.memory_space<hbm>> -> memref<100x100xi32, #tpu.memory_space<hbm>>
      %dma_wait3A_35 = arith.constant 0 : i32
      %dma_wait3A_36 = arith.constant 0 : i32
      %dma_wait3A_37 = tpu.memref_slice %arg3[%run_scoped3A, %add3A, %dma_wait3A_35, %dma_wait3A_36] : memref<2x32x100x100xi32, #tpu.memory_space<hbm>> -> memref<1x1x100x100xi32, #tpu.memory_space<hbm>>
      %dma_wait3A_38 = tpu.memref_squeeze %dma_wait3A_37 : memref<1x1x100x100xi32, #tpu.memory_space<hbm>> -> memref<100x100xi32, #tpu.memory_space<hbm>>
      tpu.wait_dma2 semaphore(%run_scoped3A_23 : memref<!tpu.dma_semaphore, #tpu.memory_space<semaphore_mem>>) src(%dma_wait3A_38 : memref<100x100xi32, #tpu.memory_space<hbm>>) dst(%arg7 : memref<100x100xi32, #tpu.memory_space<vmem>>)
      tpu.yield
    }) : () -> ()
    %run_scoped3A_3 = arith.constant 1 : i32
    "tpu.region"() ({
      %run_scoped3A_23 = tpu.sem_alloc : memref<!tpu.dma_semaphore, #tpu.memory_space<semaphore_mem>>
      %dma_start3A_24 = arith.constant 0 : i32
      %dma_start3A_25 = arith.constant 0 : i32
      %dma_start3A_26 = tpu.memref_slice %arg3[%run_scoped3A_3, %add3A, %dma_start3A_24, %dma_start3A_25] : memref<2x32x100x100xi32, #tpu.memory_space<hbm>> -> memref<1x1x100x100xi32, #tpu.memory_space<hbm>>
      %dma_start3A_27 = tpu.memref_squeeze %dma_start3A_26 : memref<1x1x100x100xi32, #tpu.memory_space<hbm>> -> memref<100x100xi32, #tpu.memory_space<hbm>>
      %dma_start3A_28 = arith.constant 0 : i32
      %dma_start3A_29 = arith.constant 0 : i32
      %dma_start3A_30 = tpu.memref_slice %arg3[%run_scoped3A_3, %add3A, %dma_start3A_28, %dma_start3A_29] : memref<2x32x100x100xi32, #tpu.memory_space<hbm>> -> memref<1x1x100x100xi32, #tpu.memory_space<hbm>>
      %dma_start3A_31 = tpu.memref_squeeze %dma_start3A_30 : memref<1x1x100x100xi32, #tpu.memory_space<hbm>> -> memref<100x100xi32, #tpu.memory_space<hbm>>
      tpu.enqueue_dma source(%dma_start3A_31 : memref<100x100xi32, #tpu.memory_space<hbm>>) target(%arg8 : memref<100x100xi32, #tpu.memory_space<vmem>>) target_semaphore(%run_scoped3A_23 : memref<!tpu.dma_semaphore, #tpu.memory_space<semaphore_mem>>)
      %dma_wait3A = arith.constant 0 : i32
      %dma_wait3A_32 = arith.constant 0 : i32
      %dma_wait3A_33 = tpu.memref_slice %arg3[%run_scoped3A_3, %add3A, %dma_wait3A, %dma_wait3A_32] : memref<2x32x100x100xi32, #tpu.memory_space<hbm>> -> memref<1x1x100x100xi32, #tpu.memory_space<hbm>>
      %dma_wait3A_34 = tpu.memref_squeeze %dma_wait3A_33 : memref<1x1x100x100xi32, #tpu.memory_space<hbm>> -> memref<100x100xi32, #tpu.memory_space<hbm>>
      %dma_wait3A_35 = arith.constant 0 : i32
      %dma_wait3A_36 = arith.constant 0 : i32
      %dma_wait3A_37 = tpu.memref_slice %arg3[%run_scoped3A_3, %add3A, %dma_wait3A_35, %dma_wait3A_36] : memref<2x32x100x100xi32, #tpu.memory_space<hbm>> -> memref<1x1x100x100xi32, #tpu.memory_space<hbm>>
      %dma_wait3A_38 = tpu.memref_squeeze %dma_wait3A_37 : memref<1x1x100x100xi32, #tpu.memory_space<hbm>> -> memref<100x100xi32, #tpu.memory_space<hbm>>
      tpu.wait_dma2 semaphore(%run_scoped3A_23 : memref<!tpu.dma_semaphore, #tpu.memory_space<semaphore_mem>>) src(%dma_wait3A_38 : memref<100x100xi32, #tpu.memory_space<hbm>>) dst(%arg8 : memref<100x100xi32, #tpu.memory_space<vmem>>)
      tpu.yield
    }) : () -> ()
    %dma_start3A = arith.constant 0 : i32
    %dma_start3A_4 = arith.constant 0 : i32
    %dma_start3A_5 = tpu.memref_slice %arg7[%dma_start3A, %dma_start3A_4] : memref<100x100xi32, #tpu.memory_space<vmem>> -> memref<1x100xi32, #tpu.memory_space<vmem>>
    %dma_start3A_6 = tpu.memref_squeeze %dma_start3A_5 : memref<1x100xi32, #tpu.memory_space<vmem>> -> memref<100xi32, #tpu.memory_space<vmem>>
    %dma_start3A_7 = arith.constant 0 : i32
    %dma_start3A_8 = arith.constant 0 : i32
    %dma_start3A_9 = tpu.memref_slice %arg2[%dma_start3A_7, %dma_start3A_8] : memref<10000x128xf32, #tpu.memory_space<hbm>> -> memref<10000x128xf32, #tpu.memory_space<hbm>>
    tpu.enqueue_indirect_dma source(%dma_start3A_9 : memref<10000x128xf32, #tpu.memory_space<hbm>>) target(%arg9 : memref<100x128xf32, #tpu.memory_space<vmem>>) offsets(%dma_start3A_6 : memref<100xi32, #tpu.memory_space<vmem>>) semaphore(%arg11 : memref<!tpu.dma_semaphore, #tpu.memory_space<semaphore_mem>>)
    %dma_start3A_10 = arith.constant 1 : i32
    %dma_start3A_11 = arith.constant 0 : i32
    %dma_start3A_12 = tpu.memref_slice %arg7[%dma_start3A_10, %dma_start3A_11] : memref<100x100xi32, #tpu.memory_space<vmem>> -> memref<1x100xi32, #tpu.memory_space<vmem>>
    %dma_start3A_13 = tpu.memref_squeeze %dma_start3A_12 : memref<1x100xi32, #tpu.memory_space<vmem>> -> memref<100xi32, #tpu.memory_space<vmem>>
    %dma_start3A_14 = arith.constant 0 : i32
    %dma_start3A_15 = arith.constant 0 : i32
    %dma_start3A_16 = tpu.memref_slice %arg2[%dma_start3A_14, %dma_start3A_15] : memref<10000x128xf32, #tpu.memory_space<hbm>> -> memref<10000x128xf32, #tpu.memory_space<hbm>>
    tpu.enqueue_indirect_dma source(%dma_start3A_16 : memref<10000x128xf32, #tpu.memory_space<hbm>>) target(%arg10 : memref<100x128xf32, #tpu.memory_space<vmem>>) offsets(%dma_start3A_13 : memref<100xi32, #tpu.memory_space<vmem>>) semaphore(%arg12 : memref<!tpu.dma_semaphore, #tpu.memory_space<semaphore_mem>>)
    "tpu.region"() ({
      %run_scoped3A_23 = tpu.sem_alloc : memref<!tpu.dma_semaphore, #tpu.memory_space<semaphore_mem>>
      %dma_start3A_24 = arith.constant 0 : i32
      %dma_start3A_25 = tpu.memref_slice %arg6[%mul3A_2, %dma_start3A_24] : memref<10240x128xf32, #tpu.memory_space<vmem_shared>> -> memref<640x128xf32, #tpu.memory_space<vmem_shared>>
      %dma_start3A_26 = arith.constant 0 : i32
      %dma_start3A_27 = tpu.memref_slice %arg4[%mul3A_2, %dma_start3A_26] : memref<10240x128xf32, #tpu.memory_space<hbm>> -> memref<640x128xf32, #tpu.memory_space<hbm>>
      tpu.enqueue_dma source(%dma_start3A_27 : memref<640x128xf32, #tpu.memory_space<hbm>>) target(%dma_start3A_25 : memref<640x128xf32, #tpu.memory_space<vmem_shared>>) target_semaphore(%run_scoped3A_23 : memref<!tpu.dma_semaphore, #tpu.memory_space<semaphore_mem>>)
      %dma_wait3A = arith.constant 0 : i32
      %dma_wait3A_28 = tpu.memref_slice %arg6[%mul3A_2, %dma_wait3A] : memref<10240x128xf32, #tpu.memory_space<vmem_shared>> -> memref<640x128xf32, #tpu.memory_space<vmem_shared>>
      %dma_wait3A_29 = arith.constant 0 : i32
      %dma_wait3A_30 = tpu.memref_slice %arg4[%mul3A_2, %dma_wait3A_29] : memref<10240x128xf32, #tpu.memory_space<hbm>> -> memref<640x128xf32, #tpu.memory_space<hbm>>
      tpu.wait_dma2 semaphore(%run_scoped3A_23 : memref<!tpu.dma_semaphore, #tpu.memory_space<semaphore_mem>>) src(%dma_wait3A_30 : memref<640x128xf32, #tpu.memory_space<hbm>>) dst(%dma_wait3A_28 : memref<640x128xf32, #tpu.memory_space<vmem_shared>>)
      tpu.yield
    }) : () -> ()
    %barrier3A = arith.constant 0 : index
    tpu.barrier barrier_id(%barrier3A)
    %scan3A = arith.constant 0 : i32
    %scan3A_17 = arith.constant 0 : i32
    %scan3A_18 = arith.constant 50 : i32
    %scan3A_19 = arith.addi %scan3A_17, %scan3A_18 : i32
    %scan3A_20 = arith.constant 1 : i32
    scf.for %scan3A_23 = %scan3A_17 to %scan3A_19 step %scan3A_20  : i32 {
      %mul3A_24 = arith.constant 2 : i32
      %mul3A_25 = arith.muli %mul3A_24, %scan3A_23 : i32
      %add3A_26 = arith.constant 1 : i32
      %add3A_27 = arith.addi %mul3A_25, %add3A_26 : i32
      %dma_wait3A = arith.constant 0 : i32
      %dma_wait3A_28 = tpu.memref_slice %arg7[%mul3A_25, %dma_wait3A] : memref<100x100xi32, #tpu.memory_space<vmem>> -> memref<1x100xi32, #tpu.memory_space<vmem>>
      %dma_wait3A_29 = tpu.memref_squeeze %dma_wait3A_28 : memref<1x100xi32, #tpu.memory_space<vmem>> -> memref<100xi32, #tpu.memory_space<vmem>>
      %dma_wait3A_30 = arith.constant 0 : i32
      %dma_wait3A_31 = arith.constant 0 : i32
      %dma_wait3A_32 = tpu.memref_slice %arg2[%dma_wait3A_30, %dma_wait3A_31] : memref<10000x128xf32, #tpu.memory_space<hbm>> -> memref<10000x128xf32, #tpu.memory_space<hbm>>
      tpu.wait_indirect_dma semaphore(%arg11 : memref<!tpu.dma_semaphore, #tpu.memory_space<semaphore_mem>>) src(%dma_wait3A_32 : memref<10000x128xf32, #tpu.memory_space<hbm>>) dst(%arg9 : memref<100x128xf32, #tpu.memory_space<vmem>>)
      "tpu.region"() ({
        %run_scoped3A_50 = tpu.sem_alloc : memref<!tpu.dma_semaphore, #tpu.memory_space<semaphore_mem>>
        %dma_start3A_51 = arith.constant 0 : i32
        %dma_start3A_52 = tpu.memref_slice %arg8[%mul3A_25, %dma_start3A_51] : memref<100x100xi32, #tpu.memory_space<vmem>> -> memref<1x100xi32, #tpu.memory_space<vmem>>
        %dma_start3A_53 = tpu.memref_squeeze %dma_start3A_52 : memref<1x100xi32, #tpu.memory_space<vmem>> -> memref<100xi32, #tpu.memory_space<vmem>>
        %dma_start3A_54 = arith.constant 0 : i32
        %dma_start3A_55 = arith.constant 0 : i32
        %dma_start3A_56 = tpu.memref_slice %arg6[%dma_start3A_54, %dma_start3A_55] : memref<10240x128xf32, #tpu.memory_space<vmem_shared>> -> memref<10240x128xf32, #tpu.memory_space<vmem_shared>>
        tpu.enqueue_indirect_dma source(%arg9 : memref<100x128xf32, #tpu.memory_space<vmem>>) target(%dma_start3A_56 : memref<10240x128xf32, #tpu.memory_space<vmem_shared>>) offsets(%dma_start3A_53 : memref<100xi32, #tpu.memory_space<vmem>>) semaphore(%run_scoped3A_50 : memref<!tpu.dma_semaphore, #tpu.memory_space<semaphore_mem>>) {add = true}
        %dma_wait3A_57 = arith.constant 0 : i32
        %dma_wait3A_58 = tpu.memref_slice %arg8[%mul3A_25, %dma_wait3A_57] : memref<100x100xi32, #tpu.memory_space<vmem>> -> memref<1x100xi32, #tpu.memory_space<vmem>>
        %dma_wait3A_59 = tpu.memref_squeeze %dma_wait3A_58 : memref<1x100xi32, #tpu.memory_space<vmem>> -> memref<100xi32, #tpu.memory_space<vmem>>
        %dma_wait3A_60 = arith.constant 0 : i32
        %dma_wait3A_61 = arith.constant 0 : i32
        %dma_wait3A_62 = tpu.memref_slice %arg6[%dma_wait3A_60, %dma_wait3A_61] : memref<10240x128xf32, #tpu.memory_space<vmem_shared>> -> memref<10240x128xf32, #tpu.memory_space<vmem_shared>>
        tpu.wait_indirect_dma semaphore(%run_scoped3A_50 : memref<!tpu.dma_semaphore, #tpu.memory_space<semaphore_mem>>) src(%arg9 : memref<100x128xf32, #tpu.memory_space<vmem>>) dst(%dma_wait3A_62 : memref<10240x128xf32, #tpu.memory_space<vmem_shared>>)
        tpu.yield
      }) : () -> ()
      %add3A_33 = arith.constant 2 : i32
      %add3A_34 = arith.addi %mul3A_25, %add3A_33 : i32
      %lt3A = arith.constant 100 : i32
      %lt3A_35 = arith.cmpi slt, %add3A_34, %lt3A : i32
      %convert_element_type3A = arith.extui %lt3A_35 : i1 to i32
      %cond3A = arith.constant 0 : i32
      %cond3A_36 = arith.cmpi ne, %convert_element_type3A, %cond3A : i32
      scf.if %cond3A_36 {
        %add3A_50 = arith.constant 2 : i32
        %add3A_51 = arith.addi %mul3A_25, %add3A_50 : i32
        %dma_start3A_52 = arith.constant 0 : i32
        %dma_start3A_53 = tpu.memref_slice %arg7[%add3A_51, %dma_start3A_52] : memref<100x100xi32, #tpu.memory_space<vmem>> -> memref<1x100xi32, #tpu.memory_space<vmem>>
        %dma_start3A_54 = tpu.memref_squeeze %dma_start3A_53 : memref<1x100xi32, #tpu.memory_space<vmem>> -> memref<100xi32, #tpu.memory_space<vmem>>
        %dma_start3A_55 = arith.constant 0 : i32
        %dma_start3A_56 = arith.constant 0 : i32
        %dma_start3A_57 = tpu.memref_slice %arg2[%dma_start3A_55, %dma_start3A_56] : memref<10000x128xf32, #tpu.memory_space<hbm>> -> memref<10000x128xf32, #tpu.memory_space<hbm>>
        tpu.enqueue_indirect_dma source(%dma_start3A_57 : memref<10000x128xf32, #tpu.memory_space<hbm>>) target(%arg9 : memref<100x128xf32, #tpu.memory_space<vmem>>) offsets(%dma_start3A_54 : memref<100xi32, #tpu.memory_space<vmem>>) semaphore(%arg11 : memref<!tpu.dma_semaphore, #tpu.memory_space<semaphore_mem>>)
      } else {
      }
      %dma_wait3A_37 = arith.constant 0 : i32
      %dma_wait3A_38 = tpu.memref_slice %arg7[%add3A_27, %dma_wait3A_37] : memref<100x100xi32, #tpu.memory_space<vmem>> -> memref<1x100xi32, #tpu.memory_space<vmem>>
      %dma_wait3A_39 = tpu.memref_squeeze %dma_wait3A_38 : memref<1x100xi32, #tpu.memory_space<vmem>> -> memref<100xi32, #tpu.memory_space<vmem>>
      %dma_wait3A_40 = arith.constant 0 : i32
      %dma_wait3A_41 = arith.constant 0 : i32
      %dma_wait3A_42 = tpu.memref_slice %arg2[%dma_wait3A_40, %dma_wait3A_41] : memref<10000x128xf32, #tpu.memory_space<hbm>> -> memref<10000x128xf32, #tpu.memory_space<hbm>>
      tpu.wait_indirect_dma semaphore(%arg12 : memref<!tpu.dma_semaphore, #tpu.memory_space<semaphore_mem>>) src(%dma_wait3A_42 : memref<10000x128xf32, #tpu.memory_space<hbm>>) dst(%arg10 : memref<100x128xf32, #tpu.memory_space<vmem>>)
      "tpu.region"() ({
        %run_scoped3A_50 = tpu.sem_alloc : memref<!tpu.dma_semaphore, #tpu.memory_space<semaphore_mem>>
        %dma_start3A_51 = arith.constant 0 : i32
        %dma_start3A_52 = tpu.memref_slice %arg8[%add3A_27, %dma_start3A_51] : memref<100x100xi32, #tpu.memory_space<vmem>> -> memref<1x100xi32, #tpu.memory_space<vmem>>
        %dma_start3A_53 = tpu.memref_squeeze %dma_start3A_52 : memref<1x100xi32, #tpu.memory_space<vmem>> -> memref<100xi32, #tpu.memory_space<vmem>>
        %dma_start3A_54 = arith.constant 0 : i32
        %dma_start3A_55 = arith.constant 0 : i32
        %dma_start3A_56 = tpu.memref_slice %arg6[%dma_start3A_54, %dma_start3A_55] : memref<10240x128xf32, #tpu.memory_space<vmem_shared>> -> memref<10240x128xf32, #tpu.memory_space<vmem_shared>>
        tpu.enqueue_indirect_dma source(%arg10 : memref<100x128xf32, #tpu.memory_space<vmem>>) target(%dma_start3A_56 : memref<10240x128xf32, #tpu.memory_space<vmem_shared>>) offsets(%dma_start3A_53 : memref<100xi32, #tpu.memory_space<vmem>>) semaphore(%run_scoped3A_50 : memref<!tpu.dma_semaphore, #tpu.memory_space<semaphore_mem>>) {add = true}
        %dma_wait3A_57 = arith.constant 0 : i32
        %dma_wait3A_58 = tpu.memref_slice %arg8[%add3A_27, %dma_wait3A_57] : memref<100x100xi32, #tpu.memory_space<vmem>> -> memref<1x100xi32, #tpu.memory_space<vmem>>
        %dma_wait3A_59 = tpu.memref_squeeze %dma_wait3A_58 : memref<1x100xi32, #tpu.memory_space<vmem>> -> memref<100xi32, #tpu.memory_space<vmem>>
        %dma_wait3A_60 = arith.constant 0 : i32
        %dma_wait3A_61 = arith.constant 0 : i32
        %dma_wait3A_62 = tpu.memref_slice %arg6[%dma_wait3A_60, %dma_wait3A_61] : memref<10240x128xf32, #tpu.memory_space<vmem_shared>> -> memref<10240x128xf32, #tpu.memory_space<vmem_shared>>
        tpu.wait_indirect_dma semaphore(%run_scoped3A_50 : memref<!tpu.dma_semaphore, #tpu.memory_space<semaphore_mem>>) src(%arg10 : memref<100x128xf32, #tpu.memory_space<vmem>>) dst(%dma_wait3A_62 : memref<10240x128xf32, #tpu.memory_space<vmem_shared>>)
        tpu.yield
      }) : () -> ()
      %add3A_43 = arith.constant 2 : i32
      %add3A_44 = arith.addi %add3A_27, %add3A_43 : i32
      %lt3A_45 = arith.constant 100 : i32
      %lt3A_46 = arith.cmpi slt, %add3A_44, %lt3A_45 : i32
      %convert_element_type3A_47 = arith.extui %lt3A_46 : i1 to i32
      %cond3A_48 = arith.constant 0 : i32
      %cond3A_49 = arith.cmpi ne, %convert_element_type3A_47, %cond3A_48 : i32
      scf.if %cond3A_49 {
        %add3A_50 = arith.constant 2 : i32
        %add3A_51 = arith.addi %add3A_27, %add3A_50 : i32
        %dma_start3A_52 = arith.constant 0 : i32
        %dma_start3A_53 = tpu.memref_slice %arg7[%add3A_51, %dma_start3A_52] : memref<100x100xi32, #tpu.memory_space<vmem>> -> memref<1x100xi32, #tpu.memory_space<vmem>>
        %dma_start3A_54 = tpu.memref_squeeze %dma_start3A_53 : memref<1x100xi32, #tpu.memory_space<vmem>> -> memref<100xi32, #tpu.memory_space<vmem>>
        %dma_start3A_55 = arith.constant 0 : i32
        %dma_start3A_56 = arith.constant 0 : i32
        %dma_start3A_57 = tpu.memref_slice %arg2[%dma_start3A_55, %dma_start3A_56] : memref<10000x128xf32, #tpu.memory_space<hbm>> -> memref<10000x128xf32, #tpu.memory_space<hbm>>
        tpu.enqueue_indirect_dma source(%dma_start3A_57 : memref<10000x128xf32, #tpu.memory_space<hbm>>) target(%arg10 : memref<100x128xf32, #tpu.memory_space<vmem>>) offsets(%dma_start3A_54 : memref<100xi32, #tpu.memory_space<vmem>>) semaphore(%arg12 : memref<!tpu.dma_semaphore, #tpu.memory_space<semaphore_mem>>)
      } else {
      }
    }
    %scan3A_21 = arith.constant 50 : i32
    %barrier3A_22 = arith.constant 0 : index
    tpu.barrier barrier_id(%barrier3A_22)
    "tpu.region"() ({
      %run_scoped3A_23 = tpu.sem_alloc : memref<!tpu.dma_semaphore, #tpu.memory_space<semaphore_mem>>
      %dma_start3A_24 = arith.constant 0 : i32
      %dma_start3A_25 = tpu.memref_slice %arg5[%arg0, %mul3A_2, %dma_start3A_24] : memref<2x10240x128xf32, #tpu.memory_space<hbm>> -> memref<1x640x128xf32, #tpu.memory_space<hbm>>
      %dma_start3A_26 = tpu.memref_squeeze %dma_start3A_25 : memref<1x640x128xf32, #tpu.memory_space<hbm>> -> memref<640x128xf32, #tpu.memory_space<hbm>>
      %dma_start3A_27 = arith.constant 0 : i32
      %dma_start3A_28 = tpu.memref_slice %arg6[%mul3A_2, %dma_start3A_27] : memref<10240x128xf32, #tpu.memory_space<vmem_shared>> -> memref<640x128xf32, #tpu.memory_space<vmem_shared>>
      tpu.enqueue_dma source(%dma_start3A_28 : memref<640x128xf32, #tpu.memory_space<vmem_shared>>) target(%dma_start3A_26 : memref<640x128xf32, #tpu.memory_space<hbm>>) target_semaphore(%run_scoped3A_23 : memref<!tpu.dma_semaphore, #tpu.memory_space<semaphore_mem>>)
      %dma_wait3A = arith.constant 0 : i32
      %dma_wait3A_29 = tpu.memref_slice %arg5[%arg0, %mul3A_2, %dma_wait3A] : memref<2x10240x128xf32, #tpu.memory_space<hbm>> -> memref<1x640x128xf32, #tpu.memory_space<hbm>>
      %dma_wait3A_30 = tpu.memref_squeeze %dma_wait3A_29 : memref<1x640x128xf32, #tpu.memory_space<hbm>> -> memref<640x128xf32, #tpu.memory_space<hbm>>
      %dma_wait3A_31 = arith.constant 0 : i32
      %dma_wait3A_32 = tpu.memref_slice %arg6[%mul3A_2, %dma_wait3A_31] : memref<10240x128xf32, #tpu.memory_space<vmem_shared>> -> memref<640x128xf32, #tpu.memory_space<vmem_shared>>
      tpu.wait_dma2 semaphore(%run_scoped3A_23 : memref<!tpu.dma_semaphore, #tpu.memory_space<semaphore_mem>>) src(%dma_wait3A_32 : memref<640x128xf32, #tpu.memory_space<vmem_shared>>) dst(%dma_wait3A_30 : memref<640x128xf32, #tpu.memory_space<hbm>>)
      tpu.yield
    }) : () -> ()
    return
  }
}

module attributes {stable_mosaic.version = 14 : i64} {
  func.func @_pre_body(%arg0: i32, %arg1: memref<2000x128xf32, #tpu.memory_space<vmem>>, %arg2: memref<128x128xf32, #tpu.memory_space<vmem>>, %arg3: memref<1x128xf32, #tpu.memory_space<vmem>>, %arg4: memref<1x128xf32, #tpu.memory_space<vmem>>, %arg5: memref<1x128xf32, #tpu.memory_space<vmem>>, %arg6: memref<2000x128xf32, #tpu.memory_space<vmem>>) attributes {dimension_semantics = [#tpu.dimension_semantics<arbitrary>], iteration_bounds = array<i64: 5>, scalar_prefetch = 0 : i64, scratch_operands = 0 : i64, tpu.core_type = #tpu.core_type<tc>, window_params = [{transform_indices = @transform_0, window_bounds = array<i64: 2000, 128>}, {pipeline_mode = #tpu.pipeline_mode<synchronous>, transform_indices = @transform_1, window_bounds = array<i64: 128, 128>}, {pipeline_mode = #tpu.pipeline_mode<synchronous>, transform_indices = @transform_2, window_bounds = array<i64: 1, 128>}, {pipeline_mode = #tpu.pipeline_mode<synchronous>, transform_indices = @transform_3, window_bounds = array<i64: 1, 128>}, {pipeline_mode = #tpu.pipeline_mode<synchronous>, transform_indices = @transform_4, window_bounds = array<i64: 1, 128>}, {transform_indices = @transform_5, window_bounds = array<i64: 2000, 128>}]} {
    %get3A = arith.constant 0 : index
    %get3A_0 = arith.constant 0 : index
    %get3A_1 = vector.load %arg1[%get3A, %get3A_0] : memref<2000x128xf32, #tpu.memory_space<vmem>>, vector<2000x128xf32>
    %get3A_2 = arith.constant 0 : index
    %get3A_3 = arith.constant 0 : index
    %get3A_4 = vector.load %arg2[%get3A_2, %get3A_3] : memref<128x128xf32, #tpu.memory_space<vmem>>, vector<128x128xf32>
    %dot_general3A = arith.constant dense<0.000000e+00> : vector<2000x128xf32>
    %dot_general3A_5 = tpu.matmul %get3A_1, %get3A_4, %dot_general3A {dimension_numbers = #tpu.dot_dimension_numbers<[1], [1], [0], [0], [0, 0, 1, 0], [], []>, transpose_lhs_hint = false} : vector<2000x128xf32>, vector<128x128xf32>, vector<2000x128xf32> -> vector<2000x128xf32>
    %get3A_6 = arith.constant 0 : index
    %get3A_7 = arith.constant 0 : index
    %get3A_8 = vector.load %arg3[%get3A_6, %get3A_7] : memref<1x128xf32, #tpu.memory_space<vmem>>, vector<1x128xf32>
    %add3A = vector.broadcast %get3A_8 : vector<1x128xf32> to vector<2000x128xf32>
    %add3A_9 = arith.addf %dot_general3A_5, %add3A : vector<2000x128xf32>
    %mul3A = arith.constant 5.000000e-01 : f32
    %mul3A_10 = vector.broadcast %mul3A : f32 to vector<2000x128xf32>
    %mul3A_11 = arith.mulf %mul3A_10, %add3A_9 : vector<2000x128xf32>
    %mul3A_12 = arith.constant 0.707106769 : f32
    %mul3A_13 = vector.broadcast %mul3A_12 : f32 to vector<2000x128xf32>
    %mul3A_14 = arith.mulf %add3A_9, %mul3A_13 : vector<2000x128xf32>
    %erf3A = math.erf %mul3A_14 : vector<2000x128xf32>
    %add3A_15 = arith.constant 1.000000e+00 : f32
    %add3A_16 = vector.broadcast %add3A_15 : f32 to vector<2000x128xf32>
    %add3A_17 = arith.addf %add3A_16, %erf3A : vector<2000x128xf32>
    %mul3A_18 = arith.mulf %mul3A_11, %add3A_17 : vector<2000x128xf32>
    %get3A_19 = arith.constant 0 : index
    %get3A_20 = arith.constant 0 : index
    %get3A_21 = vector.load %arg4[%get3A_19, %get3A_20] : memref<1x128xf32, #tpu.memory_space<vmem>>, vector<1x128xf32>
    %get3A_22 = arith.constant 0 : index
    %get3A_23 = arith.constant 0 : index
    %get3A_24 = vector.load %arg5[%get3A_22, %get3A_23] : memref<1x128xf32, #tpu.memory_space<vmem>>, vector<1x128xf32>
    %reduce_sum3A = arith.constant dense<0.000000e+00> : vector<2000xf32>
    %reduce_sum3A_25 = vector.multi_reduction <add>, %mul3A_18, %reduce_sum3A [1] : vector<2000x128xf32> to vector<2000xf32>
    %broadcast_in_dim3A = vector.shape_cast %reduce_sum3A_25 : vector<2000xf32> to vector<2000x1xf32>
    %div3A = arith.constant 1.280000e+02 : f32
    %div3A_26 = vector.broadcast %div3A : f32 to vector<2000x1xf32>
    %div3A_27 = arith.divf %broadcast_in_dim3A, %div3A_26 : vector<2000x1xf32>
    %jit3A = arith.constant 0 : i32
    %reduce_sum3A_28 = arith.constant dense<0.000000e+00> : vector<2000xf32>
    %reduce_sum3A_29 = vector.multi_reduction <add>, %mul3A_18, %reduce_sum3A_28 [1] : vector<2000x128xf32> to vector<2000xf32>
    %broadcast_in_dim3A_30 = vector.shape_cast %reduce_sum3A_29 : vector<2000xf32> to vector<2000x1xf32>
    %div3A_31 = arith.constant 1.280000e+02 : f32
    %div3A_32 = vector.broadcast %div3A_31 : f32 to vector<2000x1xf32>
    %div3A_33 = arith.divf %broadcast_in_dim3A_30, %div3A_32 : vector<2000x1xf32>
    %sub3A = vector.broadcast %div3A_33 : vector<2000x1xf32> to vector<2000x128xf32>
    %sub3A_34 = arith.subf %mul3A_18, %sub3A : vector<2000x128xf32>
    %square3A = arith.mulf %sub3A_34, %sub3A_34 : vector<2000x128xf32>
    %convert_element_type3A = arith.sitofp %jit3A : i32 to f32
    %sub3A_35 = arith.constant 1.280000e+02 : f32
    %sub3A_36 = arith.subf %sub3A_35, %convert_element_type3A : f32
    %reduce_sum3A_37 = arith.constant dense<0.000000e+00> : vector<2000xf32>
    %reduce_sum3A_38 = vector.multi_reduction <add>, %square3A, %reduce_sum3A_37 [1] : vector<2000x128xf32> to vector<2000xf32>
    %broadcast_in_dim3A_39 = vector.shape_cast %reduce_sum3A_38 : vector<2000xf32> to vector<2000x1xf32>
    %div3A_40 = vector.broadcast %sub3A_36 : f32 to vector<2000x1xf32>
    %div3A_41 = arith.divf %broadcast_in_dim3A_39, %div3A_40 : vector<2000x1xf32>
    %gt3A = arith.constant 0.000000e+00 : f32
    %gt3A_42 = arith.cmpf ogt, %sub3A_36, %gt3A : f32
    %jit3A_43 = arith.constant 0x7FC00000 : f32
    %broadcast_in_dim3A_44 = vector.broadcast %jit3A_43 : f32 to vector<2000x1xf32>
    %select_n3A = arith.select %gt3A_42, %div3A_41, %broadcast_in_dim3A_44 : vector<2000x1xf32>
    %sub3A_45 = vector.broadcast %div3A_27 : vector<2000x1xf32> to vector<2000x128xf32>
    %sub3A_46 = arith.subf %mul3A_18, %sub3A_45 : vector<2000x128xf32>
    %add3A_47 = arith.constant 9.99999974E-6 : f32
    %add3A_48 = vector.broadcast %add3A_47 : f32 to vector<2000x1xf32>
    %add3A_49 = arith.addf %select_n3A, %add3A_48 : vector<2000x1xf32>
    %sqrt3A = math.sqrt %add3A_49 : vector<2000x1xf32>
    %div3A_50 = vector.broadcast %sqrt3A : vector<2000x1xf32> to vector<2000x128xf32>
    %div3A_51 = arith.divf %sub3A_46, %div3A_50 : vector<2000x128xf32>
    %mul3A_52 = vector.broadcast %get3A_21 : vector<1x128xf32> to vector<2000x128xf32>
    %mul3A_53 = arith.mulf %div3A_51, %mul3A_52 : vector<2000x128xf32>
    %add3A_54 = vector.broadcast %get3A_24 : vector<1x128xf32> to vector<2000x128xf32>
    %add3A_55 = arith.addf %mul3A_53, %add3A_54 : vector<2000x128xf32>
    %swap3A = arith.constant 0 : index
    %swap3A_56 = arith.constant 0 : index
    %swap3A_57 = vector.load %arg6[%swap3A, %swap3A_56] : memref<2000x128xf32, #tpu.memory_space<vmem>>, vector<2000x128xf32>
    tpu.vector_store %arg6[%swap3A, %swap3A_56], %add3A_55 {strides = array<i32>} : memref<2000x128xf32, #tpu.memory_space<vmem>>, vector<2000x128xf32>,
    return
  }
  func.func @transform_0(%arg0: i32) -> (i32, i32) {
    %c0_i32 = arith.constant 0 : i32
    %c0_i32_0 = arith.constant 0 : i32
    return %arg0, %c0_i32 : i32, i32
  }
  func.func @transform_1(%arg0: i32) -> (i32, i32) {
    %c0_i32 = arith.constant 0 : i32
    %c0_i32_0 = arith.constant 0 : i32
    %c0_i32_1 = arith.constant 0 : i32
    return %c0_i32, %c0_i32_0 : i32, i32
  }
  func.func @transform_2(%arg0: i32) -> (i32, i32) {
    %c0_i32 = arith.constant 0 : i32
    %c0_i32_0 = arith.constant 0 : i32
    %c0_i32_1 = arith.constant 0 : i32
    return %c0_i32, %c0_i32_0 : i32, i32
  }
  func.func @transform_3(%arg0: i32) -> (i32, i32) {
    %c0_i32 = arith.constant 0 : i32
    %c0_i32_0 = arith.constant 0 : i32
    %c0_i32_1 = arith.constant 0 : i32
    return %c0_i32, %c0_i32_0 : i32, i32
  }
  func.func @transform_4(%arg0: i32) -> (i32, i32) {
    %c0_i32 = arith.constant 0 : i32
    %c0_i32_0 = arith.constant 0 : i32
    %c0_i32_1 = arith.constant 0 : i32
    return %c0_i32, %c0_i32_0 : i32, i32
  }
  func.func @transform_5(%arg0: i32) -> (i32, i32) {
    %c0_i32 = arith.constant 0 : i32
    %c0_i32_0 = arith.constant 0 : i32
    return %arg0, %c0_i32 : i32, i32
  }
}

module attributes {stable_mosaic.version = 14 : i64} {
  func.func @_scale_body(%arg0: i32, %arg1: memref<2000x128xf32, #tpu.memory_space<vmem>>, %arg2: memref<2x2000x16xf32, #tpu.memory_space<vmem>>, %arg3: memref<2000x128xf32, #tpu.memory_space<vmem>>, %arg4: memref<2000x1xf32, #tpu.memory_space<vmem>>) attributes {dimension_semantics = [#tpu.dimension_semantics<arbitrary>], iteration_bounds = array<i64: 5>, scalar_prefetch = 0 : i64, scratch_operands = 0 : i64, tpu.core_type = #tpu.core_type<tc>, window_params = [{transform_indices = @transform_0, window_bounds = array<i64: 2000, 128>}, {transform_indices = @transform_1, window_bounds = array<i64: 2, 2000, 16>}, {transform_indices = @transform_2, window_bounds = array<i64: 2000, 128>}, {transform_indices = @transform_3, window_bounds = array<i64: 2000, 1>}]} {
    %get3A = arith.constant 0 : index
    %get3A_0 = arith.constant 0 : index
    %get3A_1 = arith.constant 0 : index
    %get3A_2 = vector.load %arg2[%get3A, %get3A_0, %get3A_1] : memref<2x2000x16xf32, #tpu.memory_space<vmem>>, vector<1x2000x1xf32>
    %get3A_3 = vector.shape_cast %get3A_2 : vector<1x2000x1xf32> to vector<2000x1xf32>
    %get3A_4 = arith.constant 1 : index
    %get3A_5 = arith.constant 0 : index
    %get3A_6 = arith.constant 0 : index
    %get3A_7 = vector.load %arg2[%get3A_4, %get3A_5, %get3A_6] : memref<2x2000x16xf32, #tpu.memory_space<vmem>>, vector<1x2000x1xf32>
    %get3A_8 = vector.shape_cast %get3A_7 : vector<1x2000x1xf32> to vector<2000x1xf32>
    %add3A = arith.addf %get3A_3, %get3A_8 : vector<2000x1xf32>
    %add3A_9 = arith.constant 1.000000e+00 : f32
    %add3A_10 = vector.broadcast %add3A_9 : f32 to vector<2000x1xf32>
    %add3A_11 = arith.addf %add3A, %add3A_10 : vector<2000x1xf32>
    %rsqrt3A = math.rsqrt %add3A_11 : vector<2000x1xf32>
    %swap3A = arith.constant 0 : index
    %swap3A_12 = arith.constant 0 : index
    %swap3A_13 = vector.load %arg4[%swap3A, %swap3A_12] : memref<2000x1xf32, #tpu.memory_space<vmem>>, vector<2000x1xf32>
    tpu.vector_store %arg4[%swap3A, %swap3A_12], %rsqrt3A {strides = array<i32>} : memref<2000x1xf32, #tpu.memory_space<vmem>>, vector<2000x1xf32>,
    %get3A_14 = arith.constant 0 : index
    %get3A_15 = arith.constant 0 : index
    %get3A_16 = vector.load %arg1[%get3A_14, %get3A_15] : memref<2000x128xf32, #tpu.memory_space<vmem>>, vector<2000x128xf32>
    %broadcast_in_dim3A = vector.shape_cast %rsqrt3A : vector<2000x1xf32> to vector<2000x1xf32>
    %broadcast_in_dim3A_17 = vector.broadcast %broadcast_in_dim3A : vector<2000x1xf32> to vector<2000x128xf32>
    %mul3A = arith.mulf %get3A_16, %broadcast_in_dim3A_17 : vector<2000x128xf32>
    %swap3A_18 = arith.constant 0 : index
    %swap3A_19 = arith.constant 0 : index
    %swap3A_20 = vector.load %arg3[%swap3A_18, %swap3A_19] : memref<2000x128xf32, #tpu.memory_space<vmem>>, vector<2000x128xf32>
    tpu.vector_store %arg3[%swap3A_18, %swap3A_19], %mul3A {strides = array<i32>} : memref<2000x128xf32, #tpu.memory_space<vmem>>, vector<2000x128xf32>,
    return
  }
  func.func @transform_0(%arg0: i32) -> (i32, i32) {
    %c0_i32 = arith.constant 0 : i32
    %c0_i32_0 = arith.constant 0 : i32
    return %arg0, %c0_i32 : i32, i32
  }
  func.func @transform_1(%arg0: i32) -> (i32, i32, i32) {
    %c0_i32 = arith.constant 0 : i32
    %c0_i32_0 = arith.constant 0 : i32
    %c0_i32_1 = arith.constant 0 : i32
    return %c0_i32, %arg0, %c0_i32_0 : i32, i32, i32
  }
  func.func @transform_2(%arg0: i32) -> (i32, i32) {
    %c0_i32 = arith.constant 0 : i32
    %c0_i32_0 = arith.constant 0 : i32
    return %arg0, %c0_i32 : i32, i32
  }
  func.func @transform_3(%arg0: i32) -> (i32, i32) {
    %c0_i32 = arith.constant 0 : i32
    %c0_i32_0 = arith.constant 0 : i32
    return %arg0, %c0_i32 : i32, i32
  }
}

module attributes {stable_mosaic.version = 14 : i64} {
  func.func @_mid_body(%arg0: i32, %arg1: memref<2x2000x128xf32, #tpu.memory_space<vmem>>, %arg2: memref<2000x128xf32, #tpu.memory_space<vmem>>, %arg3: memref<2000x1xf32, #tpu.memory_space<vmem>>, %arg4: memref<2000x128xf32, #tpu.memory_space<vmem>>) attributes {dimension_semantics = [#tpu.dimension_semantics<arbitrary>], iteration_bounds = array<i64: 5>, scalar_prefetch = 0 : i64, scratch_operands = 0 : i64, tpu.core_type = #tpu.core_type<tc>, window_params = [{transform_indices = @transform_0, window_bounds = array<i64: 2, 2000, 128>}, {transform_indices = @transform_1, window_bounds = array<i64: 2000, 128>}, {transform_indices = @transform_2, window_bounds = array<i64: 2000, 1>}, {transform_indices = @transform_3, window_bounds = array<i64: 2000, 128>}]} {
    %get3A = arith.constant 0 : index
    %get3A_0 = arith.constant 0 : index
    %get3A_1 = arith.constant 0 : index
    %get3A_2 = vector.load %arg1[%get3A, %get3A_0, %get3A_1] : memref<2x2000x128xf32, #tpu.memory_space<vmem>>, vector<1x2000x128xf32>
    %get3A_3 = vector.shape_cast %get3A_2 : vector<1x2000x128xf32> to vector<2000x128xf32>
    %get3A_4 = arith.constant 1 : index
    %get3A_5 = arith.constant 0 : index
    %get3A_6 = arith.constant 0 : index
    %get3A_7 = vector.load %arg1[%get3A_4, %get3A_5, %get3A_6] : memref<2x2000x128xf32, #tpu.memory_space<vmem>>, vector<1x2000x128xf32>
    %get3A_8 = vector.shape_cast %get3A_7 : vector<1x2000x128xf32> to vector<2000x128xf32>
    %add3A = arith.addf %get3A_3, %get3A_8 : vector<2000x128xf32>
    %get3A_9 = arith.constant 0 : index
    %get3A_10 = arith.constant 0 : index
    %get3A_11 = vector.load %arg2[%get3A_9, %get3A_10] : memref<2000x128xf32, #tpu.memory_space<vmem>>, vector<2000x128xf32>
    %add3A_12 = arith.addf %add3A, %get3A_11 : vector<2000x128xf32>
    %get3A_13 = arith.constant 0 : index
    %get3A_14 = arith.constant 0 : index
    %get3A_15 = vector.load %arg3[%get3A_13, %get3A_14] : memref<2000x1xf32, #tpu.memory_space<vmem>>, vector<2000x1xf32>
    %mul3A = arith.mulf %get3A_15, %get3A_15 : vector<2000x1xf32>
    %broadcast_in_dim3A = vector.shape_cast %mul3A : vector<2000x1xf32> to vector<2000x1xf32>
    %broadcast_in_dim3A_16 = vector.broadcast %broadcast_in_dim3A : vector<2000x1xf32> to vector<2000x128xf32>
    %mul3A_17 = arith.mulf %broadcast_in_dim3A_16, %add3A_12 : vector<2000x128xf32>
    %swap3A = arith.constant 0 : index
    %swap3A_18 = arith.constant 0 : index
    %swap3A_19 = vector.load %arg4[%swap3A, %swap3A_18] : memref<2000x128xf32, #tpu.memory_space<vmem>>, vector<2000x128xf32>
    tpu.vector_store %arg4[%swap3A, %swap3A_18], %mul3A_17 {strides = array<i32>} : memref<2000x128xf32, #tpu.memory_space<vmem>>, vector<2000x128xf32>,
    return
  }
  func.func @transform_0(%arg0: i32) -> (i32, i32, i32) {
    %c0_i32 = arith.constant 0 : i32
    %c0_i32_0 = arith.constant 0 : i32
    %c0_i32_1 = arith.constant 0 : i32
    return %c0_i32, %arg0, %c0_i32_0 : i32, i32, i32
  }
  func.func @transform_1(%arg0: i32) -> (i32, i32) {
    %c0_i32 = arith.constant 0 : i32
    %c0_i32_0 = arith.constant 0 : i32
    return %arg0, %c0_i32 : i32, i32
  }
  func.func @transform_2(%arg0: i32) -> (i32, i32) {
    %c0_i32 = arith.constant 0 : i32
    %c0_i32_0 = arith.constant 0 : i32
    return %arg0, %c0_i32 : i32, i32
  }
  func.func @transform_3(%arg0: i32) -> (i32, i32) {
    %c0_i32 = arith.constant 0 : i32
    %c0_i32_0 = arith.constant 0 : i32
    return %arg0, %c0_i32 : i32, i32
  }
}

module attributes {stable_mosaic.version = 14 : i64} {
  func.func @_dense_out_body(%arg0: i32, %arg1: memref<2x2000x128xf32, #tpu.memory_space<vmem>>, %arg2: memref<2000x128xf32, #tpu.memory_space<vmem>>, %arg3: memref<2000x1xf32, #tpu.memory_space<vmem>>, %arg4: memref<128x128xf32, #tpu.memory_space<vmem>>, %arg5: memref<1x128xf32, #tpu.memory_space<vmem>>, %arg6: memref<1x128xf32, #tpu.memory_space<vmem>>, %arg7: memref<1x128xf32, #tpu.memory_space<vmem>>, %arg8: memref<128x128xf32, #tpu.memory_space<vmem>>, %arg9: memref<1x128xf32, #tpu.memory_space<vmem>>, %arg10: memref<2000x128xf32, #tpu.memory_space<vmem>>) attributes {dimension_semantics = [#tpu.dimension_semantics<arbitrary>], iteration_bounds = array<i64: 5>, scalar_prefetch = 0 : i64, scratch_operands = 0 : i64, tpu.core_type = #tpu.core_type<tc>, window_params = [{transform_indices = @transform_0, window_bounds = array<i64: 2, 2000, 128>}, {transform_indices = @transform_1, window_bounds = array<i64: 2000, 128>}, {transform_indices = @transform_2, window_bounds = array<i64: 2000, 1>}, {pipeline_mode = #tpu.pipeline_mode<synchronous>, transform_indices = @transform_3, window_bounds = array<i64: 128, 128>}, {pipeline_mode = #tpu.pipeline_mode<synchronous>, transform_indices = @transform_4, window_bounds = array<i64: 1, 128>}, {pipeline_mode = #tpu.pipeline_mode<synchronous>, transform_indices = @transform_5, window_bounds = array<i64: 1, 128>}, {pipeline_mode = #tpu.pipeline_mode<synchronous>, transform_indices = @transform_6, window_bounds = array<i64: 1, 128>}, {pipeline_mode = #tpu.pipeline_mode<synchronous>, transform_indices = @transform_7, window_bounds = array<i64: 128, 128>}, {pipeline_mode = #tpu.pipeline_mode<synchronous>, transform_indices = @transform_8, window_bounds = array<i64: 1, 128>}, {transform_indices = @transform_9, window_bounds = array<i64: 2000, 128>}]} {
    %get3A = arith.constant 0 : index
    %get3A_0 = arith.constant 0 : index
    %get3A_1 = vector.load %arg3[%get3A, %get3A_0] : memref<2000x1xf32, #tpu.memory_space<vmem>>, vector<2000x1xf32>
    %broadcast_in_dim3A = vector.shape_cast %get3A_1 : vector<2000x1xf32> to vector<2000x1xf32>
    %broadcast_in_dim3A_2 = vector.broadcast %broadcast_in_dim3A : vector<2000x1xf32> to vector<2000x128xf32>
    %get3A_3 = arith.constant 0 : index
    %get3A_4 = arith.constant 0 : index
    %get3A_5 = arith.constant 0 : index
    %get3A_6 = vector.load %arg1[%get3A_3, %get3A_4, %get3A_5] : memref<2x2000x128xf32, #tpu.memory_space<vmem>>, vector<1x2000x128xf32>
    %get3A_7 = vector.shape_cast %get3A_6 : vector<1x2000x128xf32> to vector<2000x128xf32>
    %get3A_8 = arith.constant 1 : index
    %get3A_9 = arith.constant 0 : index
    %get3A_10 = arith.constant 0 : index
    %get3A_11 = vector.load %arg1[%get3A_8, %get3A_9, %get3A_10] : memref<2x2000x128xf32, #tpu.memory_space<vmem>>, vector<1x2000x128xf32>
    %get3A_12 = vector.shape_cast %get3A_11 : vector<1x2000x128xf32> to vector<2000x128xf32>
    %add3A = arith.addf %get3A_7, %get3A_12 : vector<2000x128xf32>
    %get3A_13 = arith.constant 0 : index
    %get3A_14 = arith.constant 0 : index
    %get3A_15 = vector.load %arg2[%get3A_13, %get3A_14] : memref<2000x128xf32, #tpu.memory_space<vmem>>, vector<2000x128xf32>
    %add3A_16 = arith.addf %add3A, %get3A_15 : vector<2000x128xf32>
    %mul3A = arith.mulf %broadcast_in_dim3A_2, %add3A_16 : vector<2000x128xf32>
    %get3A_17 = arith.constant 0 : index
    %get3A_18 = arith.constant 0 : index
    %get3A_19 = vector.load %arg4[%get3A_17, %get3A_18] : memref<128x128xf32, #tpu.memory_space<vmem>>, vector<128x128xf32>
    %dot_general3A = arith.constant dense<0.000000e+00> : vector<2000x128xf32>
    %dot_general3A_20 = tpu.matmul %mul3A, %get3A_19, %dot_general3A {dimension_numbers = #tpu.dot_dimension_numbers<[1], [1], [0], [0], [0, 0, 1, 0], [], []>, transpose_lhs_hint = false} : vector<2000x128xf32>, vector<128x128xf32>, vector<2000x128xf32> -> vector<2000x128xf32>
    %get3A_21 = arith.constant 0 : index
    %get3A_22 = arith.constant 0 : index
    %get3A_23 = vector.load %arg5[%get3A_21, %get3A_22] : memref<1x128xf32, #tpu.memory_space<vmem>>, vector<1x128xf32>
    %add3A_24 = vector.broadcast %get3A_23 : vector<1x128xf32> to vector<2000x128xf32>
    %add3A_25 = arith.addf %dot_general3A_20, %add3A_24 : vector<2000x128xf32>
    %mul3A_26 = arith.constant 5.000000e-01 : f32
    %mul3A_27 = vector.broadcast %mul3A_26 : f32 to vector<2000x128xf32>
    %mul3A_28 = arith.mulf %mul3A_27, %add3A_25 : vector<2000x128xf32>
    %mul3A_29 = arith.constant 0.707106769 : f32
    %mul3A_30 = vector.broadcast %mul3A_29 : f32 to vector<2000x128xf32>
    %mul3A_31 = arith.mulf %add3A_25, %mul3A_30 : vector<2000x128xf32>
    %erf3A = math.erf %mul3A_31 : vector<2000x128xf32>
    %add3A_32 = arith.constant 1.000000e+00 : f32
    %add3A_33 = vector.broadcast %add3A_32 : f32 to vector<2000x128xf32>
    %add3A_34 = arith.addf %add3A_33, %erf3A : vector<2000x128xf32>
    %mul3A_35 = arith.mulf %mul3A_28, %add3A_34 : vector<2000x128xf32>
    %get3A_36 = arith.constant 0 : index
    %get3A_37 = arith.constant 0 : index
    %get3A_38 = vector.load %arg6[%get3A_36, %get3A_37] : memref<1x128xf32, #tpu.memory_space<vmem>>, vector<1x128xf32>
    %get3A_39 = arith.constant 0 : index
    %get3A_40 = arith.constant 0 : index
    %get3A_41 = vector.load %arg7[%get3A_39, %get3A_40] : memref<1x128xf32, #tpu.memory_space<vmem>>, vector<1x128xf32>
    %reduce_sum3A = arith.constant dense<0.000000e+00> : vector<2000xf32>
    %reduce_sum3A_42 = vector.multi_reduction <add>, %mul3A_35, %reduce_sum3A [1] : vector<2000x128xf32> to vector<2000xf32>
    %broadcast_in_dim3A_43 = vector.shape_cast %reduce_sum3A_42 : vector<2000xf32> to vector<2000x1xf32>
    %div3A = arith.constant 1.280000e+02 : f32
    %div3A_44 = vector.broadcast %div3A : f32 to vector<2000x1xf32>
    %div3A_45 = arith.divf %broadcast_in_dim3A_43, %div3A_44 : vector<2000x1xf32>
    %jit3A = arith.constant 0 : i32
    %reduce_sum3A_46 = arith.constant dense<0.000000e+00> : vector<2000xf32>
    %reduce_sum3A_47 = vector.multi_reduction <add>, %mul3A_35, %reduce_sum3A_46 [1] : vector<2000x128xf32> to vector<2000xf32>
    %broadcast_in_dim3A_48 = vector.shape_cast %reduce_sum3A_47 : vector<2000xf32> to vector<2000x1xf32>
    %div3A_49 = arith.constant 1.280000e+02 : f32
    %div3A_50 = vector.broadcast %div3A_49 : f32 to vector<2000x1xf32>
    %div3A_51 = arith.divf %broadcast_in_dim3A_48, %div3A_50 : vector<2000x1xf32>
    %sub3A = vector.broadcast %div3A_51 : vector<2000x1xf32> to vector<2000x128xf32>
    %sub3A_52 = arith.subf %mul3A_35, %sub3A : vector<2000x128xf32>
    %square3A = arith.mulf %sub3A_52, %sub3A_52 : vector<2000x128xf32>
    %convert_element_type3A = arith.sitofp %jit3A : i32 to f32
    %sub3A_53 = arith.constant 1.280000e+02 : f32
    %sub3A_54 = arith.subf %sub3A_53, %convert_element_type3A : f32
    %reduce_sum3A_55 = arith.constant dense<0.000000e+00> : vector<2000xf32>
    %reduce_sum3A_56 = vector.multi_reduction <add>, %square3A, %reduce_sum3A_55 [1] : vector<2000x128xf32> to vector<2000xf32>
    %broadcast_in_dim3A_57 = vector.shape_cast %reduce_sum3A_56 : vector<2000xf32> to vector<2000x1xf32>
    %div3A_58 = vector.broadcast %sub3A_54 : f32 to vector<2000x1xf32>
    %div3A_59 = arith.divf %broadcast_in_dim3A_57, %div3A_58 : vector<2000x1xf32>
    %gt3A = arith.constant 0.000000e+00 : f32
    %gt3A_60 = arith.cmpf ogt, %sub3A_54, %gt3A : f32
    %jit3A_61 = arith.constant 0x7FC00000 : f32
    %broadcast_in_dim3A_62 = vector.broadcast %jit3A_61 : f32 to vector<2000x1xf32>
    %select_n3A = arith.select %gt3A_60, %div3A_59, %broadcast_in_dim3A_62 : vector<2000x1xf32>
    %sub3A_63 = vector.broadcast %div3A_45 : vector<2000x1xf32> to vector<2000x128xf32>
    %sub3A_64 = arith.subf %mul3A_35, %sub3A_63 : vector<2000x128xf32>
    %add3A_65 = arith.constant 9.99999974E-6 : f32
    %add3A_66 = vector.broadcast %add3A_65 : f32 to vector<2000x1xf32>
    %add3A_67 = arith.addf %select_n3A, %add3A_66 : vector<2000x1xf32>
    %sqrt3A = math.sqrt %add3A_67 : vector<2000x1xf32>
    %div3A_68 = vector.broadcast %sqrt3A : vector<2000x1xf32> to vector<2000x128xf32>
    %div3A_69 = arith.divf %sub3A_64, %div3A_68 : vector<2000x128xf32>
    %mul3A_70 = vector.broadcast %get3A_38 : vector<1x128xf32> to vector<2000x128xf32>
    %mul3A_71 = arith.mulf %div3A_69, %mul3A_70 : vector<2000x128xf32>
    %add3A_72 = vector.broadcast %get3A_41 : vector<1x128xf32> to vector<2000x128xf32>
    %add3A_73 = arith.addf %mul3A_71, %add3A_72 : vector<2000x128xf32>
    %get3A_74 = arith.constant 0 : index
    %get3A_75 = arith.constant 0 : index
    %get3A_76 = vector.load %arg8[%get3A_74, %get3A_75] : memref<128x128xf32, #tpu.memory_space<vmem>>, vector<128x128xf32>
    %dot_general3A_77 = arith.constant dense<0.000000e+00> : vector<2000x128xf32>
    %dot_general3A_78 = tpu.matmul %add3A_73, %get3A_76, %dot_general3A_77 {dimension_numbers = #tpu.dot_dimension_numbers<[1], [1], [0], [0], [0, 0, 1, 0], [], []>, transpose_lhs_hint = false} : vector<2000x128xf32>, vector<128x128xf32>, vector<2000x128xf32> -> vector<2000x128xf32>
    %get3A_79 = arith.constant 0 : index
    %get3A_80 = arith.constant 0 : index
    %get3A_81 = vector.load %arg9[%get3A_79, %get3A_80] : memref<1x128xf32, #tpu.memory_space<vmem>>, vector<1x128xf32>
    %add3A_82 = vector.broadcast %get3A_81 : vector<1x128xf32> to vector<2000x128xf32>
    %add3A_83 = arith.addf %dot_general3A_78, %add3A_82 : vector<2000x128xf32>
    %swap3A = arith.constant 0 : index
    %swap3A_84 = arith.constant 0 : index
    %swap3A_85 = vector.load %arg10[%swap3A, %swap3A_84] : memref<2000x128xf32, #tpu.memory_space<vmem>>, vector<2000x128xf32>
    tpu.vector_store %arg10[%swap3A, %swap3A_84], %add3A_83 {strides = array<i32>} : memref<2000x128xf32, #tpu.memory_space<vmem>>, vector<2000x128xf32>,
    return
  }
  func.func @transform_0(%arg0: i32) -> (i32, i32, i32) {
    %c0_i32 = arith.constant 0 : i32
    %c0_i32_0 = arith.constant 0 : i32
    %c0_i32_1 = arith.constant 0 : i32
    return %c0_i32, %arg0, %c0_i32_0 : i32, i32, i32
  }
  func.func @transform_1(%arg0: i32) -> (i32, i32) {
    %c0_i32 = arith.constant 0 : i32
    %c0_i32_0 = arith.constant 0 : i32
    return %arg0, %c0_i32 : i32, i32
  }
  func.func @transform_2(%arg0: i32) -> (i32, i32) {
    %c0_i32 = arith.constant 0 : i32
    %c0_i32_0 = arith.constant 0 : i32
    return %arg0, %c0_i32 : i32, i32
  }
  func.func @transform_3(%arg0: i32) -> (i32, i32) {
    %c0_i32 = arith.constant 0 : i32
    %c0_i32_0 = arith.constant 0 : i32
    %c0_i32_1 = arith.constant 0 : i32
    return %c0_i32, %c0_i32_0 : i32, i32
  }
  func.func @transform_4(%arg0: i32) -> (i32, i32) {
    %c0_i32 = arith.constant 0 : i32
    %c0_i32_0 = arith.constant 0 : i32
    %c0_i32_1 = arith.constant 0 : i32
    return %c0_i32, %c0_i32_0 : i32, i32
  }
  func.func @transform_5(%arg0: i32) -> (i32, i32) {
    %c0_i32 = arith.constant 0 : i32
    %c0_i32_0 = arith.constant 0 : i32
    %c0_i32_1 = arith.constant 0 : i32
    return %c0_i32, %c0_i32_0 : i32, i32
  }
  func.func @transform_6(%arg0: i32) -> (i32, i32) {
    %c0_i32 = arith.constant 0 : i32
    %c0_i32_0 = arith.constant 0 : i32
    %c0_i32_1 = arith.constant 0 : i32
    return %c0_i32, %c0_i32_0 : i32, i32
  }
  func.func @transform_7(%arg0: i32) -> (i32, i32) {
    %c0_i32 = arith.constant 0 : i32
    %c0_i32_0 = arith.constant 0 : i32
    %c0_i32_1 = arith.constant 0 : i32
    return %c0_i32, %c0_i32_0 : i32, i32
  }
  func.func @transform_8(%arg0: i32) -> (i32, i32) {
    %c0_i32 = arith.constant 0 : i32
    %c0_i32_0 = arith.constant 0 : i32
    %c0_i32_1 = arith.constant 0 : i32
    return %c0_i32, %c0_i32_0 : i32, i32
  }
  func.func @transform_9(%arg0: i32) -> (i32, i32) {
    %c0_i32 = arith.constant 0 : i32
    %c0_i32_0 = arith.constant 0 : i32
    return %arg0, %c0_i32 : i32, i32
  }
}

</mosaic_0001>

<sc_bundles>
// kernel: kernel.12.cloned.1.call-start
scs
__scs_entry_jumppad:
0x0: {  	(pc) =	sbr.rel $0x88, $3  }
0x1: {  	(tag) =	ssettag $0x0;
	lr =	simm.s32 $0x1  }
0x2: {  	[smem:$0x3F95] =	sst lr;
	_ =	strace $0xD0000000  }
0x3: {  	_ = 	snop  }
0x4: {  	_ = 	snop  }
0x5: {  	_ = 	snop  }
0x6: {  	_ = 	snop  }
0x7: {  	_ = 	snop  }
__scs_overlays_trampoline_lowered:
0x8: {  	[smem:$0x3FA4] =	sst s0  }
0x9: {  	[smem:$0x3FA5] =	sst s1  }
0xa: {  	[smem:$0x3FA6] =	sst s2  }
0xb: {  	[smem:$0x3FA7] =	sst s3  }
0xc: {  	[smem:$0x3FA8] =	sst s4  }
0xd: {  	[smem:$0x3FA9] =	sst s5  }
0xe: {  	[smem:$0x3FAA] =	sst s6  }
0xf: {  	[smem:$0x3FAB] =	sst s7  }
0x10: {  	[smem:$0x3FAC] =	sst s8  }
0x11: {  	[smem:$0x3FAD] =	sst s9;
	s0 =	simm.s32 @!p0 $0x0  }
0x12: {  	s1 =	sld [smem:$0x3F93];
	s0 =	simm.s32 @p0 $0x1  }
0x13: {  	[smem:$0x3FAE] =	sst s0;
	s0 =	simm.s32 @!p1 $0x0  }
0x14: {  	s2 =	sld [smem:$0x3F92];
	s0 =	simm.s32 @p1 $0x1  }
0x15: {  	[smem:$0x3FAF] =	sst s0;
	s0 =	simm.s32 @!p2 $0x0  }
0x16: {  	s3 =	sld [smem:$0x3FDB];
	s0 =	simm.s32 @p2 $0x1  }
0x17: {  	s4 =	simm.s32 $0x1BF5;
	[smem:$0x3FB1] =	sst s0  }
0x18: {  	s0 =	sld [smem:$0x3F94];
	_ =	swait.ge [sflag:s4], $0x0  }
0x19: {  	s7 =	sld [smem:$0x3F95]  }
0x1a: {  	s8 =	sadd.s32 $0xFFFFE003, lr  }
0x1b: {  	s9 =	sadd.s32 $0xFFFFFEF7, lr;
	s5 =	simm.s32 $0xFFFFFFFF;
	p2 =	slt.u32 s8, $0xFFFFF086  }
0x1c: {  	p1 =	slt.u32 s9, $0xF7A;
	s5 =	simm.s32 @!p2 $0x0  }
0x1d: {  	s5 =	simm.s32 @p1 $0x1;
	p0 =	seq.s32 s7, s2  }
0x1e: {  	s7 =	smul.u32 @!p0 $0xF7A, s2;
	p2 =	seq.s32 @!p0 s5, $0x0  }
0x1f: {  	s9 =	smul.u32 $0xF7A, s1;
	s8 =	simm.s32 @!p0 $0x1BF5;
	p2 =	por !p2, p0  }
0x20: {  	[sflag:s8] =	ssyncset.s32 @!p0 $0xFFFFF086;
	s6 =	sadd.s32 @!p0 s3, s7;
	s7 =	simm.s32 @!p0 $0x108  }
0x21: {  	s3 =	sadd.s32 s3, s9;
	s6 =	sadd.s32 @!p0 $0x88, s6;
	s7 =	simm.s32 @p2 $0x1082  }
0x22: {  	[simem:s7], [sflag:s8] =	dma.local @!p0 [hbm:s6], $0xF7A  }
0x23: {  	s9 =	sor.u32 $0xD0000000, s2;
	s6 =	simm.s32 $0x108;
	_ =	swait.ge @!p0 [sflag:s8], $0x0  }
0x24: {  	s3 =	sadd.s32 $0x88, s3;
	s6 =	simm.s32 @!p1 $0x1082;
	[sflag:s4] =	ssyncset.s32 $0xFFFFF086  }
0x25: {  	[simem:s6], [sflag:s4] =	dma.local [hbm:s3], $0xF7A  }
0x26: {  	[smem:$0x3F95] =	sst s1;
	(tag) =	ssettag s2;
	_ =	strace s9  }
0x27: {  	s1 =	sld [smem:$0x3FA5]  }
0x28: {  	s2 =	sld [smem:$0x3FA6]  }
0x29: {  	s4 =	sld [smem:$0x3FA8]  }
0x2a: {  	p0 =	seq.s32 s5, $0x0;
	s5 =	sld [smem:$0x3FA9]  }
0x2b: {  	s6 =	sld [smem:$0x3FAA]  }
0x2c: {  	s7 =	sld [smem:$0x3FAB]  }
0x2d: {  	s3 =	simm.s32 $0x108;
	s8 =	sld [smem:$0x3FAC]  }
0x2e: {  	s3 =	simm.s32 @!p0 $0x1082;
	s9 =	sld [smem:$0x3FAD]  }
0x2f: {  	lr =	sadd.s32 s0, s3;
	s0 =	sld [smem:$0x3FA4]  }
0x30: {  	s3 =	sld [smem:$0x3FA7]  }
0x31: {  	[smem:$0x3FB0] =	sst s10  }
0x32: {  	s10 =	sld [smem:$0x3FAE];
	_ =	sdelay $0x3  }
0x33: {  	p0 =	seq.s32 s10, $0x1;
	s10 =	sld [smem:$0x3FB0];
	_ =	sdelay $0x3  }
0x34: {  	[smem:$0x3FB0] =	sst s10  }
0x35: {  	s10 =	sld [smem:$0x3FAF];
	_ =	sdelay $0x3  }
0x36: {  	p1 =	seq.s32 s10, $0x1;
	s10 =	sld [smem:$0x3FB0];
	_ =	sdelay $0x3  }
0x37: {  	[smem:$0x3FB0] =	sst s10  }
0x38: {  	s10 =	sld [smem:$0x3FB1]  }
0x39: {  	_ = 	snop;
	(pc) =	sbr.ind lr, $3  }
0x3a: {  	_ = 	snop  }
0x3b: {  	_ = 	snop  }
0x3c: {  	p2 =	seq.s32 s10, $0x1;
	s10 =	sld [smem:$0x3FB0]  }
0x3d: {  	_ =	shalt  }
0x3e: {  	_ =	shalt  }
0x3f: {  	_ =	shalt  }
0x40: {  	_ =	shalt  }
0x41: {  	_ =	shalt  }
0x42: {  	_ =	shalt  }
0x43: {  	_ =	shalt  }
0x44: {  	_ =	shalt  }
0x45: {  	_ =	shalt  }
0x46: {  	_ =	shalt  }
0x47: {  	_ =	shalt  }
0x48: {  	_ =	shalt  }
0x49: {  	_ =	shalt  }
0x4a: {  	_ =	shalt  }
0x4b: {  	_ =	shalt  }
0x4c: {  	_ =	shalt  }
0x4d: {  	_ =	shalt  }
0x4e: {  	_ =	shalt  }
0x4f: {  	_ =	shalt  }
0x50: {  	_ =	shalt  }
0x51: {  	_ =	shalt  }
0x52: {  	_ =	shalt  }
0x53: {  	_ =	shalt  }
0x54: {  	_ =	shalt  }
0x55: {  	_ =	shalt  }
0x56: {  	_ =	shalt  }
0x57: {  	_ =	shalt  }
0x58: {  	_ =	shalt  }
0x59: {  	_ =	shalt  }
0x5a: {  	_ =	shalt  }
0x5b: {  	_ =	shalt  }
0x5c: {  	_ =	shalt  }
0x5d: {  	_ =	shalt  }
0x5e: {  	_ =	shalt  }
0x5f: {  	_ =	shalt  }
0x60: {  	_ =	shalt  }
0x61: {  	_ =	shalt  }
0x62: {  	_ =	shalt  }
0x63: {  	_ =	shalt  }
0x64: {  	_ =	shalt  }
0x65: {  	_ =	shalt  }
0x66: {  	_ =	shalt  }
0x67: {  	_ =	shalt  }
0x68: {  	_ =	shalt  }
0x69: {  	_ =	shalt  }
0x6a: {  	_ =	shalt  }
0x6b: {  	_ =	shalt  }
0x6c: {  	_ =	shalt  }
0x6d: {  	_ =	shalt  }
0x6e: {  	_ =	shalt  }
0x6f: {  	_ =	shalt  }
0x70: {  	_ =	shalt  }
0x71: {  	_ =	shalt  }
0x72: {  	_ =	shalt  }
0x73: {  	_ =	shalt  }
0x74: {  	_ =	shalt  }
0x75: {  	_ =	shalt  }
0x76: {  	_ =	shalt  }
0x77: {  	_ =	shalt  }
0x78: {  	_ =	shalt  }
0x79: {  	_ =	shalt  }
0x7a: {  	_ =	shalt  }
0x7b: {  	_ =	shalt  }
0x7c: {  	_ =	shalt  }
0x7d: {  	_ =	shalt  }
0x7e: {  	_ =	shalt  }
0x7f: {  	_ =	shalt  }
0x80: {  	_ =	shalt  }
0x81: {  	_ =	shalt  }
0x82: {  	_ =	shalt  }
0x83: {  	_ =	shalt  }
0x84: {  	_ =	shalt  }
0x85: {  	_ =	shalt  }
0x86: {  	_ =	shalt  }
0x87: {  	_ =	shalt  }
.Lfunc_end0:
.L_simem_size_0:
called_computation.1_lowered:
.L_overlay_start_0:
0x88: {  	s2 =	sld [smem:$0x3FD9]  }
0x89: {  	s3 =	sld [smem:$0x3FFE];
	_ =	sdelay $0x1  }
0x8a: {  	s1 =	srdreg.scid  }
0x8b: {  	s0 =	sand.u32 $0x1, s1  }
0x8c: {  	s17 =	sshll.u32 s0, $0xA;
	s2 =	sadd.s32 s3, s2  }
0x8d: {  	s2 =	sadd.s32 s2, s17  }
0x8e: {  	[smem:$0x3FBC] =	sst s2  }
0x8f: {  	_ = 	snop  }
0x90: {  	s2 =	sld [smem:$0x3FD0];
	(tm) =	ssettm $0x1  }
0x91: {  	s18 =	sld [smem:$0x3FFB];
	_ =	sdelay $0x3  }
0x92: {  	_ =	strace s18  }
0x93: {  	s3 =	sld [smem:$0x3FFC];
	_ =	sdelay $0x3  }
0x94: {  	_ =	strace s3  }
0x95: {  	s3 =	sld [smem:$0x3FFD];
	_ =	sdelay $0x3  }
0x96: {  	_ =	strace s3  }
0x97: {  	_ =	strace $0x8FFFFFFF  }
0x98: {  	s19 =	sld [smem:$0x3FDB];
	_ =	sdelay $0x1  }
0x99: {  	s4 =	simm.s32 $_scs_section_size  }
0x9a: {  	s5 =	simm.s32 $_size__tile_overlayer_lowered;
	s6 =	simm.s32 $_tile_overlayer_lowered  }
0x9b: {  	s22 =	simm.s32 $0x1BFF;
	s21 =	sshll.u32 s6, $0x1;
	s3 =	sadd.s32 s4, s19  }
0x9c: {  	s7 =	simm.s32 $0x0;
	s20 =	sshll.u32 s5, $0x1;
	s5 =	sadd.s32 s21, s3  }
0x9d: {  	[timem:s7], [sflag:s22] =	dma.local [hbm:s5], s20  }
0x9e: {  	_ =	swait.ge [sflag:s22], s20  }
0x9f: {  	s4 =	ssub.s32 $0x0, s20;
	[sflag:s22] =	ssyncset.done $0x0  }
0xa0: {  	[sflag:s22] =	ssyncadd.s32 s4;
	_ =	sdelay $0x1  }
0xa1: {  	s23 =	simm.s32 $0x1B8B  }
0xa2: {  	_ =	swait.ge [sflag:s23], $0x1  }
0xa3: {  	[sflag:s23] =	ssyncset.done $0x0  }
0xa4: {  	s25 =	simm.s32 $0x1B8E;
	s24 =	sld [smem:$0x3FFE];
	[sflag:s23] =	ssyncadd.s32 $0xFFFFFFFF  }
0xa5: {  	s26 =	simm.s32 $execute0_lowered;
	[smem:$0x3FD2] =	sst s25  }
0xa6: {  	s5 =	sshll.u32 s26, $0x1;
	_ =	strace $0x80000049;
	[dreg:$0x1] =	wrdreg $0xFFFFFFFF  }
0xa7: {  	s28 =	simm.s32 $_size_execute0_lowered;
	s3 =	sadd.s32 s3, s5;
	[dreg:$0x0] =	wrdreg $0x0  }
0xa8: {  	s5 =	sshll.u32 s28, $0x1;
	[dreg:$0x2] =	wrdreg s3  }
0xa9: {  	[dreg:$0x3] =	wrdreg s5  }
0xaa: {  	[dreg:$0x4] =	wrdreg $0xC0  }
0xab: {  	_ =	task [dreg:s7], $0x5FFFF  }
0xac: {  	[dreg:$0x1] =	wrdreg $0xFFFFFFFF  }
0xad: {  	[dreg:$0x0] =	wrdreg $0x60  }
0xae: {  	[dreg:$0x2] =	wrdreg s2  }
0xaf: {  	[dreg:$0x3] =	wrdreg s24  }
0xb0: {  	[dreg:$0x4] =	wrdreg $0x0  }
0xb1: {  	[dreg:$0x5] =	wrdreg $0x9  }
0xb2: {  	_ =	task.clear_ibuf [dreg:s7], $0x6FFFF;
	_ =	strace $0x90000049  }
0xb3: {  	s29 =	simm.s32 $0x9;
	_ =	strace $0x8000004B  }
0xb4: {  	_ =	swait.ge [sflag:s29], $0x1  }
0xb5: {  	[sflag:s29] =	ssyncadd.s32 $0xFFFFFFFF  }
0xb6: {  	_ =	strace $0x9000004B  }
0xb7: {  	_ =	sfence  }
0xb8: {  	s30 =	sld [smem:$0x0];
	_ =	sdelay $0x2  }
0xb9: {  	s31 =	sshll.u32 s1, $0xD;
	s1 =	sshrl.u32 s1, $0x2  }
0xba: {  	s3 =	sand.u32 $0x4000, s31;
	s1 =	sadd.s32 s1, s30  }
0xbb: {  	s0 =	sor.u32 s3, s0;
	s1 =	sshll.u32 s1, $0x11  }
0xbc: {  	s0 =	sor.u32 s1, s0  }
0xbd: {  	s0 =	sadd.s32 $0x8F2B, s0  }
0xbe: {  	[sflag:s0] =	ssyncadd.remote.s32 $0x1  }
0xbf: {  	_ =	sfence.sel $0xFFFF  }
0xc0: {  	[dreg:$0x0] =	wrdreg $0xFFFFFFFF;
	(pc) =	sbr.abs _section_cstart, $3  }
0xc1: {  	[dreg:$0x1] =	wrdreg $0xFFFFFFFF  }
0xc2: {  	_ =	task.clear_ibuf [dreg:s7], $0x2FFFF;
	_ =	strace $0x9FFFFFFF  }
0xc3: {  	(tm) =	ssettm $0x7FFFFFFF  }
tec
execute0_lowered:
.L_overlay_start_1:
0x0: {  	(tag) =	ssettag $0x1  }
0x1: {  	s2 =	srdreg.scid;
	s1 =	rddreg [dreg:$0x0]  }
0x2: {  	s0 =	stileid.u32;
	s6 =	rddreg [dreg:$0x1]  }
0x3: {  	s3 =	rddreg [dreg:$0x2];
	s4 =	simm.s32 $0x0;
	s12 =	simm.s32 $0x168A0  }
0x4: {  	s13 =	simm.s32 $0x64;
	s14 =	simm.s32 $0x19140;
	s15 =	simm.s32 $0x14068  }
0x5: {  	s16 =	simm.s32 $0x1C340;
	s19 =	simm.s32 $0x1;
	s20 =	simm.s32 $0x2  }
0x6: {  	s21 =	simm.s32 $0x19070;
	s22 =	simm.s32 $0x190D8;
	s23 =	simm.s32 $0x0  }
0x7: {  	s5 =	sand.u32 $0x1, s2;
	s31 =	sshll.u32 s0, $0x1;
	s8 =	smul.u32 $0x14000, s0  }
0x8: {  	[smem:$0x7FF] =	sst s4;
	s17 =	sshll.u32 s0, $0x6;
	s2 =	sor.u32 s5, s31  }
0x9: {  	s9 =	smul.u32 $0x140000, s5;
	s5 =	ssub.s32 $0x2, s5;
	s17 =	sor.u32 $0x1C03, s17  }
0xa: {  	s7 =	smul.u32 $0x28A0, s2;
	s2 =	rddreg [dreg:$0x3];
	_ =	strace $0x8000004A  }
0xb: {  	s10 =	sshrl.u32 s8, $0x3;
	s11 =	sshrl.u32 s5, $0x1;
	s18 =	sadd.s32 s8, s3  }
0xc: {  	s9 =	sadd.s32 s8, s9;
	s10 =	sadd.s32 s10, s6;
	s7 =	sshrl.u32 s7, $0x3  }
0xd: {  	s11 =	ssub.s32 s5, s11;
	s9 =	sshrl.u32 s9, $0x3;
	s7 =	sadd.s32 s7, s6  }
0xe: {  	s18 =	sshrl.u32 s18, $0x3;
	s9 =	sadd.s32 s9, s6;
	s5 =	sadd.s32 $0x3400, s7  }
0xf: {  	s6 =	sadd.s32 $0xD680, s7;
	s7 =	sadd.s32 $0x17A00, s10;
	s8 =	sadd.s32 $0x3FA00, s9  }
0x10: {  	s9 =	smax.u32 s11, $0x1;
	s10 =	simm.s32 $0x14000;
	s11 =	simm.s32 $0x3  }
.LBB2_1:
0x11: {  	[tilespmem:s10], [sflag:$0x3] =	stream.linear.gather [hbm4b:s5+s4], $0x28A0, $0x38;
	[tilespmem:$0x1F540] =	vst v63  }
0x12: {  	_ =	swait.ge [sflag:s11], $0x28A0  }
0x13: {  	[sflag:s11] =	ssyncset.done $0x0  }
0x14: {  	[sflag:s11] =	ssyncadd.s32 $0xFFFFD760  }
0x15: {  	[tilespmem:s12], [sflag:$0x3] =	stream.linear.gather [hbm4b:s6+s4], $0x28A0, $0x38;
	[tilespmem:$0x1F540] =	vst v63  }
0x16: {  	_ =	swait.ge [sflag:s11], $0x28A0  }
0x17: {  	[sflag:s11] =	ssyncset.done $0x0  }
0x18: {  	[sflag:s11] =	ssyncadd.s32 $0xFFFFD760  }
0x19: {  	[tilespmem:s14], [sflag:$0x1] =	stream.indirect.gather [hbm4b:s1+s13], $0x80, s10, s13, $0xb8;
	[tilespmem:$0x1F540] =	vst v63  }
0x1a: {  	_ = 	snop  }
0x1b: {  	[tilespmem:s16], [sflag:$0x2] =	stream.indirect.gather [hbm4b:s1+s13], $0x80, s15, s13, $0xb8;
	[tilespmem:$0x1F540] =	vst v63  }
0x1c: {  	[spmem:s18], [sflag:s17] =	dma.local [hbm:s7], $0x2800  }
0x1d: {  	_ =	swait.ge [sflag:s11], $0x2800  }
0x1e: {  	[sflag:s11] =	ssyncset.done $0x0  }
0x1f: {  	[sflag:s11] =	ssyncadd.s32 $0xFFFFD800  }
0x20: {  	[bflag:$0x0] =	sbarrier.arrive $0xFFFF  }
0x21: {  	_ =	swait.ge [sflag:s19], $0x3200  }
0x22: {  	[sflag:s19] =	ssyncset.done $0x0  }
0x23: {  	s24 =	simm.s32 $0x168A0;
	[sflag:s19] =	ssyncadd.s32 $0xFFFFCE00  }
0x24: {  	[spmem:s3] =	stream.indirect.scatter.add.f32 [tilespmem:s14], [sflag:$0x3], $0x80, s24, s13, $0xb8;
	[tilespmem:$0x1F540] =	vst v63  }
0x25: {  	_ =	swait.ge [sflag:s11], $0x3200  }
0x26: {  	[sflag:s11] =	ssyncset.done $0x0  }
0x27: {  	s30 =	simm.s32 $0x140D0;
	[sflag:s11] =	ssyncadd.s32 $0xFFFFCE00  }
0x28: {  	[tilespmem:s14], [sflag:$0x1] =	stream.indirect.gather [hbm4b:s1+s13], $0x80, s30, s13, $0xb8;
	[tilespmem:$0x1F540] =	vst v63  }
0x29: {  	_ =	swait.ge [sflag:s20], $0x3200  }
0x2a: {  	[sflag:s20] =	ssyncset.done $0x0  }
0x2b: {  	s31 =	simm.s32 $0x16908;
	[sflag:s20] =	ssyncadd.s32 $0xFFFFCE00  }
0x2c: {  	[spmem:s3] =	stream.indirect.scatter.add.f32 [tilespmem:s16], [sflag:$0x3], $0x80, s31, s13, $0xb8;
	[tilespmem:$0x1F540] =	vst v63  }
0x2d: {  	_ =	swait.ge [sflag:s11], $0x3200  }
0x2e: {  	[sflag:s11] =	ssyncset.done $0x0  }
0x2f: {  	s25 =	simm.s32 $0x14138;
	s24 =	simm.s32 $0x340;
	[sflag:s11] =	ssyncadd.s32 $0xFFFFCE00  }
.LBB2_2:
0x30: {  	[tilespmem:s16], [sflag:$0x2] =	stream.indirect.gather [hbm4b:s1+s13], $0x80, s25, s13, $0xb8;
	[tilespmem:$0x1F540] =	vst v63  }
0x31: {  	s25 =	smov.u32 s24  }
0x32: {  	p0 =	sne.s32 s24, $0x9C00;
	s24 =	sadd.s32 $0x340, s24;
	_ =	swait.ge [sflag:s19], $0x3200  }
0x33: {  	s25 =	sshra.s32 s25, $0x2;
	[sflag:s19] =	ssyncset.done $0x0  }
0x34: {  	s26 =	sadd.s32 $0x168A0, s25;
	[sflag:s19] =	ssyncadd.s32 $0xFFFFCE00  }
0x35: {  	[spmem:s3] =	stream.indirect.scatter.add.f32 [tilespmem:s14], [sflag:$0x3], $0x80, s26, s13, $0xb8;
	[tilespmem:$0x1F540] =	vst v63  }
0x36: {  	_ =	swait.ge [sflag:s11], $0x3200  }
0x37: {  	[sflag:s11] =	ssyncset.done $0x0  }
0x38: {  	s26 =	sadd.s32 $0x140D0, s25;
	[sflag:s11] =	ssyncadd.s32 $0xFFFFCE00  }
0x39: {  	[tilespmem:s14], [sflag:$0x1] =	stream.indirect.gather [hbm4b:s1+s13], $0x80, s26, s13, $0xb8;
	[tilespmem:$0x1F540] =	vst v63  }
0x3a: {  	_ =	swait.ge [sflag:s20], $0x3200  }
0x3b: {  	[sflag:s20] =	ssyncset.done $0x0  }
.Ltmp0:
0x3c: {  	s26 =	sadd.s32 $0x16908, s25;
	[sflag:s20] =	ssyncadd.s32 $0xFFFFCE00;
	(pc) =	sbr.rel @p0 .LBB2_2-.Ltmp0, $4  }
0x3d: {  	[spmem:s3] =	stream.indirect.scatter.add.f32 [tilespmem:s16], [sflag:$0x3], $0x80, s26, s13, $0xb8;
	[tilespmem:$0x1F540] =	vst v63  }
0x3e: {  	_ =	swait.ge [sflag:s11], $0x3200  }
0x3f: {  	[sflag:s11] =	ssyncset.done $0x0  }
0x40: {  	s25 =	sadd.s32 $0x14138, s25;
	[sflag:s11] =	ssyncadd.s32 $0xFFFFCE00  }
0x41: {  	[tilespmem:s16], [sflag:$0x2] =	stream.indirect.gather [hbm4b:s1+s13], $0x80, s25, s13, $0xb8;
	[tilespmem:$0x1F540] =	vst v63  }
0x42: {  	_ =	swait.ge [sflag:s19], $0x3200  }
0x43: {  	[sflag:s19] =	ssyncset.done $0x0  }
0x44: {  	[sflag:s19] =	ssyncadd.s32 $0xFFFFCE00  }
0x45: {  	[spmem:s3] =	stream.indirect.scatter.add.f32 [tilespmem:s14], [sflag:$0x3], $0x80, s21, s13, $0xb8;
	[tilespmem:$0x1F540] =	vst v63  }
0x46: {  	_ =	swait.ge [sflag:s11], $0x3200  }
0x47: {  	[sflag:s11] =	ssyncset.done $0x0  }
0x48: {  	[sflag:s11] =	ssyncadd.s32 $0xFFFFCE00  }
0x49: {  	_ =	swait.ge [sflag:s20], $0x3200  }
0x4a: {  	[sflag:s20] =	ssyncset.done $0x0  }
0x4b: {  	[sflag:s20] =	ssyncadd.s32 $0xFFFFCE00  }
0x4c: {  	[spmem:s3] =	stream.indirect.scatter.add.f32 [tilespmem:s16], [sflag:$0x3], $0x80, s22, s13, $0xb8;
	[tilespmem:$0x1F540] =	vst v63  }
0x4d: {  	_ =	swait.ge [sflag:s11], $0x3200  }
0x4e: {  	s23 =	sadd.s32 $0x1, s23;
	[sflag:s11] =	ssyncset.done $0x0  }
0x4f: {  	p0 =	sne.s32 s23, s9;
	[sflag:s11] =	ssyncadd.s32 $0xFFFFCE00  }
.Ltmp1:
0x50: {  	[bflag:$0x0] =	sbarrier.arrive $0xFFFF;
	(pc) =	sbr.rel @p0 .LBB2_1-.Ltmp1, $4  }
0x51: {  	[hbm:s8], [sflag:s17] =	dma.local [spmem:s18], $0x2800  }
0x52: {  	_ =	swait.ge [sflag:s11], $0x2800  }
0x53: {  	[sflag:s11] =	ssyncset.done $0x0  }
0x54: {  	[sflag:s11] =	ssyncadd.s32 $0xFFFFD800  }
0x55: {  	_ =	sfence.sel $0x180000  }
0x56: {  	[bflag:$0x0] =	sbarrier.arrive $0xFFFF  }
0x57: {  	p0 =	sne.s32 s0, $0x0;
	_ =	strace $0x9000004A  }
0x58: {  	s0 =	sadd.s32 @!p0 $0x100000, s2;
	[bflag:$0x2] =	sbarrier.arrive $0xFFFF  }
0x59: {  	[sflag:s0] =	ssyncadd.tile.s32 @!p0 $0x1;
	_ =	shalt  }
.Lfunc_end2:
_tile_overlayer_lowered:
.L_overlay_start_2:
0x5a: {  	(tag) =	ssettag $0x2  }
0x5b: {  	s0 =	rddreg [dreg:$0x0];
	s2 =	stileid.u32  }
0x5c: {  	s1 =	rddreg [dreg:$0x1];
	p0 =	sne.s32 s2, $0x0  }
0x5d: {  	s3 =	rddreg [dreg:$0x2];
	[bflag:$0x3] =	sbarrier.arrive $0xFFFF;
	s2 =	simm.s32 @!p0 $0x1C03  }
0x5e: {  	[timem:s3], [sflag:s2] =	dma.local @!p0 [hbm:s0], s1  }
0x5f: {  	s0 =	simm.s32 @!p0 $0x3  }
0x60: {  	_ =	swait.ge @!p0 [sflag:s0], s1  }
0x61: {  	s1 =	ssub.s32 @!p0 $0x0, s1;
	[sflag:s0] =	ssyncset.done @!p0 $0x0  }
0x62: {  	[sflag:s0] =	ssyncadd.s32 @!p0 s1  }
0x63: {  	[bflag:$0x3] =	sbarrier.arrive $0xFFFF  }
0x64: {  	_ =	shalt  }

// kernel: kernel.15.cloned.1.call-start
scs
__scs_entry_jumppad:
0x0: {  	(pc) =	sbr.rel $0x88, $3  }
0x1: {  	(tag) =	ssettag $0x0;
	lr =	simm.s32 $0x1  }
0x2: {  	[smem:$0x3F95] =	sst lr;
	_ =	strace $0xD0000000  }
0x3: {  	_ = 	snop  }
0x4: {  	_ = 	snop  }
0x5: {  	_ = 	snop  }
0x6: {  	_ = 	snop  }
0x7: {  	_ = 	snop  }
__scs_overlays_trampoline_lowered:
0x8: {  	[smem:$0x3FA4] =	sst s0  }
0x9: {  	[smem:$0x3FA5] =	sst s1  }
0xa: {  	[smem:$0x3FA6] =	sst s2  }
0xb: {  	[smem:$0x3FA7] =	sst s3  }
0xc: {  	[smem:$0x3FA8] =	sst s4  }
0xd: {  	[smem:$0x3FA9] =	sst s5  }
0xe: {  	[smem:$0x3FAA] =	sst s6  }
0xf: {  	[smem:$0x3FAB] =	sst s7  }
0x10: {  	[smem:$0x3FAC] =	sst s8  }
0x11: {  	[smem:$0x3FAD] =	sst s9;
	s0 =	simm.s32 @!p0 $0x0  }
0x12: {  	s1 =	sld [smem:$0x3F93];
	s0 =	simm.s32 @p0 $0x1  }
0x13: {  	[smem:$0x3FAE] =	sst s0;
	s0 =	simm.s32 @!p1 $0x0  }
0x14: {  	s2 =	sld [smem:$0x3F92];
	s0 =	simm.s32 @p1 $0x1  }
0x15: {  	[smem:$0x3FAF] =	sst s0;
	s0 =	simm.s32 @!p2 $0x0  }
0x16: {  	s3 =	sld [smem:$0x3FDB];
	s0 =	simm.s32 @p2 $0x1  }
0x17: {  	s4 =	simm.s32 $0x1BF5;
	[smem:$0x3FB1] =	sst s0  }
0x18: {  	s0 =	sld [smem:$0x3F94];
	_ =	swait.ge [sflag:s4], $0x0  }
0x19: {  	s7 =	sld [smem:$0x3F95]  }
0x1a: {  	s8 =	sadd.s32 $0xFFFFE003, lr  }
0x1b: {  	s9 =	sadd.s32 $0xFFFFFEF7, lr;
	s5 =	simm.s32 $0xFFFFFFFF;
	p2 =	slt.u32 s8, $0xFFFFF086  }
0x1c: {  	p1 =	slt.u32 s9, $0xF7A;
	s5 =	simm.s32 @!p2 $0x0  }
0x1d: {  	s5 =	simm.s32 @p1 $0x1;
	p0 =	seq.s32 s7, s2  }
0x1e: {  	s7 =	smul.u32 @!p0 $0xF7A, s2;
	p2 =	seq.s32 @!p0 s5, $0x0  }
0x1f: {  	s9 =	smul.u32 $0xF7A, s1;
	s8 =	simm.s32 @!p0 $0x1BF5;
	p2 =	por !p2, p0  }
0x20: {  	[sflag:s8] =	ssyncset.s32 @!p0 $0xFFFFF086;
	s6 =	sadd.s32 @!p0 s3, s7;
	s7 =	simm.s32 @!p0 $0x108  }
0x21: {  	s3 =	sadd.s32 s3, s9;
	s6 =	sadd.s32 @!p0 $0x88, s6;
	s7 =	simm.s32 @p2 $0x1082  }
0x22: {  	[simem:s7], [sflag:s8] =	dma.local @!p0 [hbm:s6], $0xF7A  }
0x23: {  	s9 =	sor.u32 $0xD0000000, s2;
	s6 =	simm.s32 $0x108;
	_ =	swait.ge @!p0 [sflag:s8], $0x0  }
0x24: {  	s3 =	sadd.s32 $0x88, s3;
	s6 =	simm.s32 @!p1 $0x1082;
	[sflag:s4] =	ssyncset.s32 $0xFFFFF086  }
0x25: {  	[simem:s6], [sflag:s4] =	dma.local [hbm:s3], $0xF7A  }
0x26: {  	[smem:$0x3F95] =	sst s1;
	(tag) =	ssettag s2;
	_ =	strace s9  }
0x27: {  	s1 =	sld [smem:$0x3FA5]  }
0x28: {  	s2 =	sld [smem:$0x3FA6]  }
0x29: {  	s4 =	sld [smem:$0x3FA8]  }
0x2a: {  	p0 =	seq.s32 s5, $0x0;
	s5 =	sld [smem:$0x3FA9]  }
0x2b: {  	s6 =	sld [smem:$0x3FAA]  }
0x2c: {  	s7 =	sld [smem:$0x3FAB]  }
0x2d: {  	s3 =	simm.s32 $0x108;
	s8 =	sld [smem:$0x3FAC]  }
0x2e: {  	s3 =	simm.s32 @!p0 $0x1082;
	s9 =	sld [smem:$0x3FAD]  }
0x2f: {  	lr =	sadd.s32 s0, s3;
	s0 =	sld [smem:$0x3FA4]  }
0x30: {  	s3 =	sld [smem:$0x3FA7]  }
0x31: {  	[smem:$0x3FB0] =	sst s10  }
0x32: {  	s10 =	sld [smem:$0x3FAE];
	_ =	sdelay $0x3  }
0x33: {  	p0 =	seq.s32 s10, $0x1;
	s10 =	sld [smem:$0x3FB0];
	_ =	sdelay $0x3  }
0x34: {  	[smem:$0x3FB0] =	sst s10  }
0x35: {  	s10 =	sld [smem:$0x3FAF];
	_ =	sdelay $0x3  }
0x36: {  	p1 =	seq.s32 s10, $0x1;
	s10 =	sld [smem:$0x3FB0];
	_ =	sdelay $0x3  }
0x37: {  	[smem:$0x3FB0] =	sst s10  }
0x38: {  	s10 =	sld [smem:$0x3FB1]  }
0x39: {  	_ = 	snop;
	(pc) =	sbr.ind lr, $3  }
0x3a: {  	_ = 	snop  }
0x3b: {  	_ = 	snop  }
0x3c: {  	p2 =	seq.s32 s10, $0x1;
	s10 =	sld [smem:$0x3FB0]  }
0x3d: {  	_ =	shalt  }
0x3e: {  	_ =	shalt  }
0x3f: {  	_ =	shalt  }
0x40: {  	_ =	shalt  }
0x41: {  	_ =	shalt  }
0x42: {  	_ =	shalt  }
0x43: {  	_ =	shalt  }
0x44: {  	_ =	shalt  }
0x45: {  	_ =	shalt  }
0x46: {  	_ =	shalt  }
0x47: {  	_ =	shalt  }
0x48: {  	_ =	shalt  }
0x49: {  	_ =	shalt  }
0x4a: {  	_ =	shalt  }
0x4b: {  	_ =	shalt  }
0x4c: {  	_ =	shalt  }
0x4d: {  	_ =	shalt  }
0x4e: {  	_ =	shalt  }
0x4f: {  	_ =	shalt  }
0x50: {  	_ =	shalt  }
0x51: {  	_ =	shalt  }
0x52: {  	_ =	shalt  }
0x53: {  	_ =	shalt  }
0x54: {  	_ =	shalt  }
0x55: {  	_ =	shalt  }
0x56: {  	_ =	shalt  }
0x57: {  	_ =	shalt  }
0x58: {  	_ =	shalt  }
0x59: {  	_ =	shalt  }
0x5a: {  	_ =	shalt  }
0x5b: {  	_ =	shalt  }
0x5c: {  	_ =	shalt  }
0x5d: {  	_ =	shalt  }
0x5e: {  	_ =	shalt  }
0x5f: {  	_ =	shalt  }
0x60: {  	_ =	shalt  }
0x61: {  	_ =	shalt  }
0x62: {  	_ =	shalt  }
0x63: {  	_ =	shalt  }
0x64: {  	_ =	shalt  }
0x65: {  	_ =	shalt  }
0x66: {  	_ =	shalt  }
0x67: {  	_ =	shalt  }
0x68: {  	_ =	shalt  }
0x69: {  	_ =	shalt  }
0x6a: {  	_ =	shalt  }
0x6b: {  	_ =	shalt  }
0x6c: {  	_ =	shalt  }
0x6d: {  	_ =	shalt  }
0x6e: {  	_ =	shalt  }
0x6f: {  	_ =	shalt  }
0x70: {  	_ =	shalt  }
0x71: {  	_ =	shalt  }
0x72: {  	_ =	shalt  }
0x73: {  	_ =	shalt  }
0x74: {  	_ =	shalt  }
0x75: {  	_ =	shalt  }
0x76: {  	_ =	shalt  }
0x77: {  	_ =	shalt  }
0x78: {  	_ =	shalt  }
0x79: {  	_ =	shalt  }
0x7a: {  	_ =	shalt  }
0x7b: {  	_ =	shalt  }
0x7c: {  	_ =	shalt  }
0x7d: {  	_ =	shalt  }
0x7e: {  	_ =	shalt  }
0x7f: {  	_ =	shalt  }
0x80: {  	_ =	shalt  }
0x81: {  	_ =	shalt  }
0x82: {  	_ =	shalt  }
0x83: {  	_ =	shalt  }
0x84: {  	_ =	shalt  }
0x85: {  	_ =	shalt  }
0x86: {  	_ =	shalt  }
0x87: {  	_ =	shalt  }
.Lfunc_end0:
.L_simem_size_0:
called_computation.2_lowered:
.L_overlay_start_0:
0x88: {  	s2 =	sld [smem:$0x3FD9]  }
0x89: {  	s3 =	sld [smem:$0x3FFE];
	_ =	sdelay $0x1  }
0x8a: {  	s1 =	srdreg.scid  }
0x8b: {  	s0 =	sand.u32 $0x1, s1  }
0x8c: {  	s17 =	sshll.u32 s0, $0xA;
	s2 =	sadd.s32 s3, s2  }
0x8d: {  	s2 =	sadd.s32 s2, s17  }
0x8e: {  	[smem:$0x3FBC] =	sst s2  }
0x8f: {  	_ = 	snop  }
0x90: {  	s2 =	sld [smem:$0x3FD0];
	(tm) =	ssettm $0x1  }
0x91: {  	s18 =	sld [smem:$0x3FFB];
	_ =	sdelay $0x3  }
0x92: {  	_ =	strace s18  }
0x93: {  	s3 =	sld [smem:$0x3FFC];
	_ =	sdelay $0x3  }
0x94: {  	_ =	strace s3  }
0x95: {  	s3 =	sld [smem:$0x3FFD];
	_ =	sdelay $0x3  }
0x96: {  	_ =	strace s3  }
0x97: {  	_ =	strace $0x8FFFFFFF  }
0x98: {  	s19 =	sld [smem:$0x3FDB];
	_ =	sdelay $0x1  }
0x99: {  	s4 =	simm.s32 $_scs_section_size  }
0x9a: {  	s5 =	simm.s32 $_size__tile_overlayer_lowered;
	s6 =	simm.s32 $_tile_overlayer_lowered  }
0x9b: {  	s22 =	simm.s32 $0x1BFF;
	s21 =	sshll.u32 s6, $0x1;
	s3 =	sadd.s32 s4, s19  }
0x9c: {  	s7 =	simm.s32 $0x0;
	s20 =	sshll.u32 s5, $0x1;
	s5 =	sadd.s32 s21, s3  }
0x9d: {  	[timem:s7], [sflag:s22] =	dma.local [hbm:s5], s20  }
0x9e: {  	_ =	swait.ge [sflag:s22], s20  }
0x9f: {  	s4 =	ssub.s32 $0x0, s20;
	[sflag:s22] =	ssyncset.done $0x0  }
0xa0: {  	[sflag:s22] =	ssyncadd.s32 s4;
	_ =	sdelay $0x1  }
0xa1: {  	s23 =	simm.s32 $0x1B8B  }
0xa2: {  	_ =	swait.ge [sflag:s23], $0x1  }
0xa3: {  	[sflag:s23] =	ssyncset.done $0x0  }
0xa4: {  	s25 =	simm.s32 $0x1B8E;
	s24 =	sld [smem:$0x3FFE];
	[sflag:s23] =	ssyncadd.s32 $0xFFFFFFFF  }
0xa5: {  	s26 =	simm.s32 $execute0_lowered;
	[smem:$0x3FD2] =	sst s25  }
0xa6: {  	s5 =	sshll.u32 s26, $0x1;
	_ =	strace $0x8000004C;
	[dreg:$0x1] =	wrdreg $0xFFFFFFFF  }
0xa7: {  	s28 =	simm.s32 $_size_execute0_lowered;
	s3 =	sadd.s32 s3, s5;
	[dreg:$0x0] =	wrdreg $0x0  }
0xa8: {  	s5 =	sshll.u32 s28, $0x1;
	[dreg:$0x2] =	wrdreg s3  }
0xa9: {  	[dreg:$0x3] =	wrdreg s5  }
0xaa: {  	[dreg:$0x4] =	wrdreg $0xC0  }
0xab: {  	_ =	task [dreg:s7], $0x5FFFF  }
0xac: {  	[dreg:$0x1] =	wrdreg $0xFFFFFFFF  }
0xad: {  	[dreg:$0x0] =	wrdreg $0x60  }
0xae: {  	[dreg:$0x2] =	wrdreg s2  }
0xaf: {  	[dreg:$0x3] =	wrdreg s24  }
0xb0: {  	[dreg:$0x4] =	wrdreg $0x0  }
0xb1: {  	[dreg:$0x5] =	wrdreg $0x9  }
0xb2: {  	_ =	task.clear_ibuf [dreg:s7], $0x6FFFF;
	_ =	strace $0x9000004C  }
0xb3: {  	s29 =	simm.s32 $0x9;
	_ =	strace $0x8000004E  }
0xb4: {  	_ =	swait.ge [sflag:s29], $0x1  }
0xb5: {  	[sflag:s29] =	ssyncadd.s32 $0xFFFFFFFF  }
0xb6: {  	_ =	strace $0x9000004E  }
0xb7: {  	_ =	sfence  }
0xb8: {  	s30 =	sld [smem:$0x0];
	_ =	sdelay $0x2  }
0xb9: {  	s31 =	sshll.u32 s1, $0xD;
	s1 =	sshrl.u32 s1, $0x2  }
0xba: {  	s3 =	sand.u32 $0x4000, s31;
	s1 =	sadd.s32 s1, s30  }
0xbb: {  	s0 =	sor.u32 s3, s0;
	s1 =	sshll.u32 s1, $0x11  }
0xbc: {  	s0 =	sor.u32 s1, s0  }
0xbd: {  	s0 =	sadd.s32 $0x8F2B, s0  }
0xbe: {  	[sflag:s0] =	ssyncadd.remote.s32 $0x1  }
0xbf: {  	_ =	sfence.sel $0xFFFF  }
0xc0: {  	[dreg:$0x0] =	wrdreg $0xFFFFFFFF;
	(pc) =	sbr.abs _section_cstart, $3  }
0xc1: {  	[dreg:$0x1] =	wrdreg $0xFFFFFFFF  }
0xc2: {  	_ =	task.clear_ibuf [dreg:s7], $0x2FFFF;
	_ =	strace $0x9FFFFFFF  }
0xc3: {  	(tm) =	ssettm $0x7FFFFFFF  }
tec
execute0_lowered:
.L_overlay_start_1:
0x0: {  	(tag) =	ssettag $0x1  }
0x1: {  	s2 =	srdreg.scid;
	s1 =	rddreg [dreg:$0x0]  }
0x2: {  	s0 =	stileid.u32;
	s6 =	rddreg [dreg:$0x1]  }
0x3: {  	s3 =	rddreg [dreg:$0x2];
	s4 =	simm.s32 $0x0;
	s12 =	simm.s32 $0x168A0  }
0x4: {  	s13 =	simm.s32 $0x64;
	s14 =	simm.s32 $0x19140;
	s15 =	simm.s32 $0x14068  }
0x5: {  	s16 =	simm.s32 $0x1C340;
	s19 =	simm.s32 $0x1;
	s20 =	simm.s32 $0x2  }
0x6: {  	s21 =	simm.s32 $0x19070;
	s22 =	simm.s32 $0x190D8;
	s23 =	simm.s32 $0x0  }
0x7: {  	s5 =	sand.u32 $0x1, s2;
	s31 =	sshll.u32 s0, $0x1;
	s8 =	smul.u32 $0x14000, s0  }
0x8: {  	[smem:$0x7FF] =	sst s4;
	s17 =	sshll.u32 s0, $0x6;
	s2 =	sor.u32 s5, s31  }
0x9: {  	s9 =	smul.u32 $0x140000, s5;
	s5 =	ssub.s32 $0x2, s5;
	s17 =	sor.u32 $0x1C03, s17  }
0xa: {  	s7 =	smul.u32 $0x28A0, s2;
	s2 =	rddreg [dreg:$0x3];
	_ =	strace $0x8000004D  }
0xb: {  	s10 =	sshrl.u32 s8, $0x3;
	s11 =	sshrl.u32 s5, $0x1;
	s18 =	sadd.s32 s8, s3  }
0xc: {  	s9 =	sadd.s32 s8, s9;
	s10 =	sadd.s32 s10, s6;
	s7 =	sshrl.u32 s7, $0x3  }
0xd: {  	s11 =	ssub.s32 s5, s11;
	s9 =	sshrl.u32 s9, $0x3;
	s7 =	sadd.s32 s7, s6  }
0xe: {  	s18 =	sshrl.u32 s18, $0x3;
	s9 =	sadd.s32 s9, s6;
	s5 =	sadd.s32 $0x3400, s7  }
0xf: {  	s6 =	sadd.s32 $0xD680, s7;
	s7 =	sadd.s32 $0x17A00, s10;
	s8 =	sadd.s32 $0x3FA00, s9  }
0x10: {  	s9 =	smax.u32 s11, $0x1;
	s10 =	simm.s32 $0x14000;
	s11 =	simm.s32 $0x3  }
.LBB2_1:
0x11: {  	[tilespmem:s10], [sflag:$0x3] =	stream.linear.gather [hbm4b:s5+s4], $0x28A0, $0x38;
	[tilespmem:$0x1F540] =	vst v63  }
0x12: {  	_ =	swait.ge [sflag:s11], $0x28A0  }
0x13: {  	[sflag:s11] =	ssyncset.done $0x0  }
0x14: {  	[sflag:s11] =	ssyncadd.s32 $0xFFFFD760  }
0x15: {  	[tilespmem:s12], [sflag:$0x3] =	stream.linear.gather [hbm4b:s6+s4], $0x28A0, $0x38;
	[tilespmem:$0x1F540] =	vst v63  }
0x16: {  	_ =	swait.ge [sflag:s11], $0x28A0  }
0x17: {  	[sflag:s11] =	ssyncset.done $0x0  }
0x18: {  	[sflag:s11] =	ssyncadd.s32 $0xFFFFD760  }
0x19: {  	[tilespmem:s14], [sflag:$0x1] =	stream.indirect.gather [hbm4b:s1+s13], $0x80, s10, s13, $0xb8;
	[tilespmem:$0x1F540] =	vst v63  }
0x1a: {  	_ = 	snop  }
0x1b: {  	[tilespmem:s16], [sflag:$0x2] =	stream.indirect.gather [hbm4b:s1+s13], $0x80, s15, s13, $0xb8;
	[tilespmem:$0x1F540] =	vst v63  }
0x1c: {  	[spmem:s18], [sflag:s17] =	dma.local [hbm:s7], $0x2800  }
0x1d: {  	_ =	swait.ge [sflag:s11], $0x2800  }
0x1e: {  	[sflag:s11] =	ssyncset.done $0x0  }
0x1f: {  	[sflag:s11] =	ssyncadd.s32 $0xFFFFD800  }
0x20: {  	[bflag:$0x0] =	sbarrier.arrive $0xFFFF  }
0x21: {  	_ =	swait.ge [sflag:s19], $0x3200  }
0x22: {  	[sflag:s19] =	ssyncset.done $0x0  }
0x23: {  	s24 =	simm.s32 $0x168A0;
	[sflag:s19] =	ssyncadd.s32 $0xFFFFCE00  }
0x24: {  	[spmem:s3] =	stream.indirect.scatter.add.f32 [tilespmem:s14], [sflag:$0x3], $0x80, s24, s13, $0xb8;
	[tilespmem:$0x1F540] =	vst v63  }
0x25: {  	_ =	swait.ge [sflag:s11], $0x3200  }
0x26: {  	[sflag:s11] =	ssyncset.done $0x0  }
0x27: {  	s30 =	simm.s32 $0x140D0;
	[sflag:s11] =	ssyncadd.s32 $0xFFFFCE00  }
0x28: {  	[tilespmem:s14], [sflag:$0x1] =	stream.indirect.gather [hbm4b:s1+s13], $0x80, s30, s13, $0xb8;
	[tilespmem:$0x1F540] =	vst v63  }
0x29: {  	_ =	swait.ge [sflag:s20], $0x3200  }
0x2a: {  	[sflag:s20] =	ssyncset.done $0x0  }
0x2b: {  	s31 =	simm.s32 $0x16908;
	[sflag:s20] =	ssyncadd.s32 $0xFFFFCE00  }
0x2c: {  	[spmem:s3] =	stream.indirect.scatter.add.f32 [tilespmem:s16], [sflag:$0x3], $0x80, s31, s13, $0xb8;
	[tilespmem:$0x1F540] =	vst v63  }
0x2d: {  	_ =	swait.ge [sflag:s11], $0x3200  }
0x2e: {  	[sflag:s11] =	ssyncset.done $0x0  }
0x2f: {  	s25 =	simm.s32 $0x14138;
	s24 =	simm.s32 $0x340;
	[sflag:s11] =	ssyncadd.s32 $0xFFFFCE00  }
.LBB2_2:
0x30: {  	[tilespmem:s16], [sflag:$0x2] =	stream.indirect.gather [hbm4b:s1+s13], $0x80, s25, s13, $0xb8;
	[tilespmem:$0x1F540] =	vst v63  }
0x31: {  	s25 =	smov.u32 s24  }
0x32: {  	p0 =	sne.s32 s24, $0x9C00;
	s24 =	sadd.s32 $0x340, s24;
	_ =	swait.ge [sflag:s19], $0x3200  }
0x33: {  	s25 =	sshra.s32 s25, $0x2;
	[sflag:s19] =	ssyncset.done $0x0  }
0x34: {  	s26 =	sadd.s32 $0x168A0, s25;
	[sflag:s19] =	ssyncadd.s32 $0xFFFFCE00  }
0x35: {  	[spmem:s3] =	stream.indirect.scatter.add.f32 [tilespmem:s14], [sflag:$0x3], $0x80, s26, s13, $0xb8;
	[tilespmem:$0x1F540] =	vst v63  }
0x36: {  	_ =	swait.ge [sflag:s11], $0x3200  }
0x37: {  	[sflag:s11] =	ssyncset.done $0x0  }
0x38: {  	s26 =	sadd.s32 $0x140D0, s25;
	[sflag:s11] =	ssyncadd.s32 $0xFFFFCE00  }
0x39: {  	[tilespmem:s14], [sflag:$0x1] =	stream.indirect.gather [hbm4b:s1+s13], $0x80, s26, s13, $0xb8;
	[tilespmem:$0x1F540] =	vst v63  }
0x3a: {  	_ =	swait.ge [sflag:s20], $0x3200  }
0x3b: {  	[sflag:s20] =	ssyncset.done $0x0  }
.Ltmp0:
0x3c: {  	s26 =	sadd.s32 $0x16908, s25;
	[sflag:s20] =	ssyncadd.s32 $0xFFFFCE00;
	(pc) =	sbr.rel @p0 .LBB2_2-.Ltmp0, $4  }
0x3d: {  	[spmem:s3] =	stream.indirect.scatter.add.f32 [tilespmem:s16], [sflag:$0x3], $0x80, s26, s13, $0xb8;
	[tilespmem:$0x1F540] =	vst v63  }
0x3e: {  	_ =	swait.ge [sflag:s11], $0x3200  }
0x3f: {  	[sflag:s11] =	ssyncset.done $0x0  }
0x40: {  	s25 =	sadd.s32 $0x14138, s25;
	[sflag:s11] =	ssyncadd.s32 $0xFFFFCE00  }
0x41: {  	[tilespmem:s16], [sflag:$0x2] =	stream.indirect.gather [hbm4b:s1+s13], $0x80, s25, s13, $0xb8;
	[tilespmem:$0x1F540] =	vst v63  }
0x42: {  	_ =	swait.ge [sflag:s19], $0x3200  }
0x43: {  	[sflag:s19] =	ssyncset.done $0x0  }
0x44: {  	[sflag:s19] =	ssyncadd.s32 $0xFFFFCE00  }
0x45: {  	[spmem:s3] =	stream.indirect.scatter.add.f32 [tilespmem:s14], [sflag:$0x3], $0x80, s21, s13, $0xb8;
	[tilespmem:$0x1F540] =	vst v63  }
0x46: {  	_ =	swait.ge [sflag:s11], $0x3200  }
0x47: {  	[sflag:s11] =	ssyncset.done $0x0  }
0x48: {  	[sflag:s11] =	ssyncadd.s32 $0xFFFFCE00  }
0x49: {  	_ =	swait.ge [sflag:s20], $0x3200  }
0x4a: {  	[sflag:s20] =	ssyncset.done $0x0  }
0x4b: {  	[sflag:s20] =	ssyncadd.s32 $0xFFFFCE00  }
0x4c: {  	[spmem:s3] =	stream.indirect.scatter.add.f32 [tilespmem:s16], [sflag:$0x3], $0x80, s22, s13, $0xb8;
	[tilespmem:$0x1F540] =	vst v63  }
0x4d: {  	_ =	swait.ge [sflag:s11], $0x3200  }
0x4e: {  	s23 =	sadd.s32 $0x1, s23;
	[sflag:s11] =	ssyncset.done $0x0  }
0x4f: {  	p0 =	sne.s32 s23, s9;
	[sflag:s11] =	ssyncadd.s32 $0xFFFFCE00  }
.Ltmp1:
0x50: {  	[bflag:$0x0] =	sbarrier.arrive $0xFFFF;
	(pc) =	sbr.rel @p0 .LBB2_1-.Ltmp1, $4  }
0x51: {  	[hbm:s8], [sflag:s17] =	dma.local [spmem:s18], $0x2800  }
0x52: {  	_ =	swait.ge [sflag:s11], $0x2800  }
0x53: {  	[sflag:s11] =	ssyncset.done $0x0  }
0x54: {  	[sflag:s11] =	ssyncadd.s32 $0xFFFFD800  }
0x55: {  	_ =	sfence.sel $0x180000  }
0x56: {  	[bflag:$0x0] =	sbarrier.arrive $0xFFFF  }
0x57: {  	p0 =	sne.s32 s0, $0x0;
	_ =	strace $0x9000004D  }
0x58: {  	s0 =	sadd.s32 @!p0 $0x100000, s2;
	[bflag:$0x2] =	sbarrier.arrive $0xFFFF  }
0x59: {  	[sflag:s0] =	ssyncadd.tile.s32 @!p0 $0x1;
	_ =	shalt  }
.Lfunc_end2:
_tile_overlayer_lowered:
.L_overlay_start_2:
0x5a: {  	(tag) =	ssettag $0x2  }
0x5b: {  	s0 =	rddreg [dreg:$0x0];
	s2 =	stileid.u32  }
0x5c: {  	s1 =	rddreg [dreg:$0x1];
	p0 =	sne.s32 s2, $0x0  }
0x5d: {  	s3 =	rddreg [dreg:$0x2];
	[bflag:$0x3] =	sbarrier.arrive $0xFFFF;
	s2 =	simm.s32 @!p0 $0x1C03  }
0x5e: {  	[timem:s3], [sflag:s2] =	dma.local @!p0 [hbm:s0], s1  }
0x5f: {  	s0 =	simm.s32 @!p0 $0x3  }
0x60: {  	_ =	swait.ge @!p0 [sflag:s0], s1  }
0x61: {  	s1 =	ssub.s32 @!p0 $0x0, s1;
	[sflag:s0] =	ssyncset.done @!p0 $0x0  }
0x62: {  	[sflag:s0] =	ssyncadd.s32 @!p0 s1  }
0x63: {  	[bflag:$0x3] =	sbarrier.arrive $0xFFFF  }
0x64: {  	_ =	shalt  }

// kernel: kernel.9.cloned.1.call-start
scs
__scs_entry_jumppad:
0x0: {  	(pc) =	sbr.rel $0x88, $3  }
0x1: {  	(tag) =	ssettag $0x0;
	lr =	simm.s32 $0x1  }
0x2: {  	[smem:$0x3F95] =	sst lr;
	_ =	strace $0xD0000000  }
0x3: {  	_ = 	snop  }
0x4: {  	_ = 	snop  }
0x5: {  	_ = 	snop  }
0x6: {  	_ = 	snop  }
0x7: {  	_ = 	snop  }
__scs_overlays_trampoline_lowered:
0x8: {  	[smem:$0x3FA4] =	sst s0  }
0x9: {  	[smem:$0x3FA5] =	sst s1  }
0xa: {  	[smem:$0x3FA6] =	sst s2  }
0xb: {  	[smem:$0x3FA7] =	sst s3  }
0xc: {  	[smem:$0x3FA8] =	sst s4  }
0xd: {  	[smem:$0x3FA9] =	sst s5  }
0xe: {  	[smem:$0x3FAA] =	sst s6  }
0xf: {  	[smem:$0x3FAB] =	sst s7  }
0x10: {  	[smem:$0x3FAC] =	sst s8  }
0x11: {  	[smem:$0x3FAD] =	sst s9;
	s0 =	simm.s32 @!p0 $0x0  }
0x12: {  	s1 =	sld [smem:$0x3F93];
	s0 =	simm.s32 @p0 $0x1  }
0x13: {  	[smem:$0x3FAE] =	sst s0;
	s0 =	simm.s32 @!p1 $0x0  }
0x14: {  	s2 =	sld [smem:$0x3F92];
	s0 =	simm.s32 @p1 $0x1  }
0x15: {  	[smem:$0x3FAF] =	sst s0;
	s0 =	simm.s32 @!p2 $0x0  }
0x16: {  	s3 =	sld [smem:$0x3FDB];
	s0 =	simm.s32 @p2 $0x1  }
0x17: {  	s4 =	simm.s32 $0x1BF5;
	[smem:$0x3FB1] =	sst s0  }
0x18: {  	s0 =	sld [smem:$0x3F94];
	_ =	swait.ge [sflag:s4], $0x0  }
0x19: {  	s7 =	sld [smem:$0x3F95]  }
0x1a: {  	s8 =	sadd.s32 $0xFFFFE003, lr  }
0x1b: {  	s9 =	sadd.s32 $0xFFFFFEF7, lr;
	s5 =	simm.s32 $0xFFFFFFFF;
	p2 =	slt.u32 s8, $0xFFFFF086  }
0x1c: {  	p1 =	slt.u32 s9, $0xF7A;
	s5 =	simm.s32 @!p2 $0x0  }
0x1d: {  	s5 =	simm.s32 @p1 $0x1;
	p0 =	seq.s32 s7, s2  }
0x1e: {  	s7 =	smul.u32 @!p0 $0xF7A, s2;
	p2 =	seq.s32 @!p0 s5, $0x0  }
0x1f: {  	s9 =	smul.u32 $0xF7A, s1;
	s8 =	simm.s32 @!p0 $0x1BF5;
	p2 =	por !p2, p0  }
0x20: {  	[sflag:s8] =	ssyncset.s32 @!p0 $0xFFFFF086;
	s6 =	sadd.s32 @!p0 s3, s7;
	s7 =	simm.s32 @!p0 $0x108  }
0x21: {  	s3 =	sadd.s32 s3, s9;
	s6 =	sadd.s32 @!p0 $0x88, s6;
	s7 =	simm.s32 @p2 $0x1082  }
0x22: {  	[simem:s7], [sflag:s8] =	dma.local @!p0 [hbm:s6], $0xF7A  }
0x23: {  	s9 =	sor.u32 $0xD0000000, s2;
	s6 =	simm.s32 $0x108;
	_ =	swait.ge @!p0 [sflag:s8], $0x0  }
0x24: {  	s3 =	sadd.s32 $0x88, s3;
	s6 =	simm.s32 @!p1 $0x1082;
	[sflag:s4] =	ssyncset.s32 $0xFFFFF086  }
0x25: {  	[simem:s6], [sflag:s4] =	dma.local [hbm:s3], $0xF7A  }
0x26: {  	[smem:$0x3F95] =	sst s1;
	(tag) =	ssettag s2;
	_ =	strace s9  }
0x27: {  	s1 =	sld [smem:$0x3FA5]  }
0x28: {  	s2 =	sld [smem:$0x3FA6]  }
0x29: {  	s4 =	sld [smem:$0x3FA8]  }
0x2a: {  	p0 =	seq.s32 s5, $0x0;
	s5 =	sld [smem:$0x3FA9]  }
0x2b: {  	s6 =	sld [smem:$0x3FAA]  }
0x2c: {  	s7 =	sld [smem:$0x3FAB]  }
0x2d: {  	s3 =	simm.s32 $0x108;
	s8 =	sld [smem:$0x3FAC]  }
0x2e: {  	s3 =	simm.s32 @!p0 $0x1082;
	s9 =	sld [smem:$0x3FAD]  }
0x2f: {  	lr =	sadd.s32 s0, s3;
	s0 =	sld [smem:$0x3FA4]  }
0x30: {  	s3 =	sld [smem:$0x3FA7]  }
0x31: {  	[smem:$0x3FB0] =	sst s10  }
0x32: {  	s10 =	sld [smem:$0x3FAE];
	_ =	sdelay $0x3  }
0x33: {  	p0 =	seq.s32 s10, $0x1;
	s10 =	sld [smem:$0x3FB0];
	_ =	sdelay $0x3  }
0x34: {  	[smem:$0x3FB0] =	sst s10  }
0x35: {  	s10 =	sld [smem:$0x3FAF];
	_ =	sdelay $0x3  }
0x36: {  	p1 =	seq.s32 s10, $0x1;
	s10 =	sld [smem:$0x3FB0];
	_ =	sdelay $0x3  }
0x37: {  	[smem:$0x3FB0] =	sst s10  }
0x38: {  	s10 =	sld [smem:$0x3FB1]  }
0x39: {  	_ = 	snop;
	(pc) =	sbr.ind lr, $3  }
0x3a: {  	_ = 	snop  }
0x3b: {  	_ = 	snop  }
0x3c: {  	p2 =	seq.s32 s10, $0x1;
	s10 =	sld [smem:$0x3FB0]  }
0x3d: {  	_ =	shalt  }
0x3e: {  	_ =	shalt  }
0x3f: {  	_ =	shalt  }
0x40: {  	_ =	shalt  }
0x41: {  	_ =	shalt  }
0x42: {  	_ =	shalt  }
0x43: {  	_ =	shalt  }
0x44: {  	_ =	shalt  }
0x45: {  	_ =	shalt  }
0x46: {  	_ =	shalt  }
0x47: {  	_ =	shalt  }
0x48: {  	_ =	shalt  }
0x49: {  	_ =	shalt  }
0x4a: {  	_ =	shalt  }
0x4b: {  	_ =	shalt  }
0x4c: {  	_ =	shalt  }
0x4d: {  	_ =	shalt  }
0x4e: {  	_ =	shalt  }
0x4f: {  	_ =	shalt  }
0x50: {  	_ =	shalt  }
0x51: {  	_ =	shalt  }
0x52: {  	_ =	shalt  }
0x53: {  	_ =	shalt  }
0x54: {  	_ =	shalt  }
0x55: {  	_ =	shalt  }
0x56: {  	_ =	shalt  }
0x57: {  	_ =	shalt  }
0x58: {  	_ =	shalt  }
0x59: {  	_ =	shalt  }
0x5a: {  	_ =	shalt  }
0x5b: {  	_ =	shalt  }
0x5c: {  	_ =	shalt  }
0x5d: {  	_ =	shalt  }
0x5e: {  	_ =	shalt  }
0x5f: {  	_ =	shalt  }
0x60: {  	_ =	shalt  }
0x61: {  	_ =	shalt  }
0x62: {  	_ =	shalt  }
0x63: {  	_ =	shalt  }
0x64: {  	_ =	shalt  }
0x65: {  	_ =	shalt  }
0x66: {  	_ =	shalt  }
0x67: {  	_ =	shalt  }
0x68: {  	_ =	shalt  }
0x69: {  	_ =	shalt  }
0x6a: {  	_ =	shalt  }
0x6b: {  	_ =	shalt  }
0x6c: {  	_ =	shalt  }
0x6d: {  	_ =	shalt  }
0x6e: {  	_ =	shalt  }
0x6f: {  	_ =	shalt  }
0x70: {  	_ =	shalt  }
0x71: {  	_ =	shalt  }
0x72: {  	_ =	shalt  }
0x73: {  	_ =	shalt  }
0x74: {  	_ =	shalt  }
0x75: {  	_ =	shalt  }
0x76: {  	_ =	shalt  }
0x77: {  	_ =	shalt  }
0x78: {  	_ =	shalt  }
0x79: {  	_ =	shalt  }
0x7a: {  	_ =	shalt  }
0x7b: {  	_ =	shalt  }
0x7c: {  	_ =	shalt  }
0x7d: {  	_ =	shalt  }
0x7e: {  	_ =	shalt  }
0x7f: {  	_ =	shalt  }
0x80: {  	_ =	shalt  }
0x81: {  	_ =	shalt  }
0x82: {  	_ =	shalt  }
0x83: {  	_ =	shalt  }
0x84: {  	_ =	shalt  }
0x85: {  	_ =	shalt  }
0x86: {  	_ =	shalt  }
0x87: {  	_ =	shalt  }
.Lfunc_end0:
.L_simem_size_0:
called_computation_lowered:
.L_overlay_start_0:
0x88: {  	s2 =	sld [smem:$0x3FD9]  }
0x89: {  	s3 =	sld [smem:$0x3FFE];
	_ =	sdelay $0x1  }
0x8a: {  	s1 =	srdreg.scid  }
0x8b: {  	s0 =	sand.u32 $0x1, s1  }
0x8c: {  	s17 =	sshll.u32 s0, $0xA;
	s2 =	sadd.s32 s3, s2  }
0x8d: {  	s2 =	sadd.s32 s2, s17  }
0x8e: {  	[smem:$0x3FBC] =	sst s2  }
0x8f: {  	_ = 	snop  }
0x90: {  	s2 =	sld [smem:$0x3FD0];
	(tm) =	ssettm $0x1  }
0x91: {  	s18 =	sld [smem:$0x3FFB];
	_ =	sdelay $0x3  }
0x92: {  	_ =	strace s18  }
0x93: {  	s3 =	sld [smem:$0x3FFC];
	_ =	sdelay $0x3  }
0x94: {  	_ =	strace s3  }
0x95: {  	s3 =	sld [smem:$0x3FFD];
	_ =	sdelay $0x3  }
0x96: {  	_ =	strace s3  }
0x97: {  	_ =	strace $0x8FFFFFFF  }
0x98: {  	s19 =	sld [smem:$0x3FDB];
	_ =	sdelay $0x1  }
0x99: {  	s4 =	simm.s32 $_scs_section_size  }
0x9a: {  	s5 =	simm.s32 $_size__tile_overlayer_lowered;
	s6 =	simm.s32 $_tile_overlayer_lowered  }
0x9b: {  	s22 =	simm.s32 $0x1BFF;
	s21 =	sshll.u32 s6, $0x1;
	s3 =	sadd.s32 s4, s19  }
0x9c: {  	s7 =	simm.s32 $0x0;
	s20 =	sshll.u32 s5, $0x1;
	s5 =	sadd.s32 s21, s3  }
0x9d: {  	[timem:s7], [sflag:s22] =	dma.local [hbm:s5], s20  }
0x9e: {  	_ =	swait.ge [sflag:s22], s20  }
0x9f: {  	s4 =	ssub.s32 $0x0, s20;
	[sflag:s22] =	ssyncset.done $0x0  }
0xa0: {  	[sflag:s22] =	ssyncadd.s32 s4;
	_ =	sdelay $0x1  }
0xa1: {  	s23 =	simm.s32 $0x1B8B  }
0xa2: {  	_ =	swait.ge [sflag:s23], $0x1  }
0xa3: {  	[sflag:s23] =	ssyncset.done $0x0  }
0xa4: {  	s25 =	simm.s32 $0x1B8E;
	s24 =	sld [smem:$0x3FFE];
	[sflag:s23] =	ssyncadd.s32 $0xFFFFFFFF  }
0xa5: {  	s26 =	simm.s32 $execute0_lowered;
	[smem:$0x3FD2] =	sst s25  }
0xa6: {  	s5 =	sshll.u32 s26, $0x1;
	_ =	strace $0x80000046;
	[dreg:$0x1] =	wrdreg $0xFFFFFFFF  }
0xa7: {  	s28 =	simm.s32 $_size_execute0_lowered;
	s3 =	sadd.s32 s3, s5;
	[dreg:$0x0] =	wrdreg $0x0  }
0xa8: {  	s5 =	sshll.u32 s28, $0x1;
	[dreg:$0x2] =	wrdreg s3  }
0xa9: {  	[dreg:$0x3] =	wrdreg s5  }
0xaa: {  	[dreg:$0x4] =	wrdreg $0xC0  }
0xab: {  	_ =	task [dreg:s7], $0x5FFFF  }
0xac: {  	[dreg:$0x1] =	wrdreg $0xFFFFFFFF  }
0xad: {  	[dreg:$0x0] =	wrdreg $0x60  }
0xae: {  	[dreg:$0x2] =	wrdreg s24  }
0xaf: {  	[dreg:$0x3] =	wrdreg s2  }
0xb0: {  	[dreg:$0x4] =	wrdreg $0x0  }
0xb1: {  	[dreg:$0x5] =	wrdreg $0x9  }
0xb2: {  	_ =	task.clear_ibuf [dreg:s7], $0x6FFFF;
	_ =	strace $0x90000046  }
0xb3: {  	s29 =	simm.s32 $0x9;
	_ =	strace $0x80000048  }
0xb4: {  	_ =	swait.ge [sflag:s29], $0x1  }
0xb5: {  	[sflag:s29] =	ssyncadd.s32 $0xFFFFFFFF  }
0xb6: {  	_ =	strace $0x90000048  }
0xb7: {  	_ =	sfence  }
0xb8: {  	s30 =	sld [smem:$0x0];
	_ =	sdelay $0x2  }
0xb9: {  	s31 =	sshll.u32 s1, $0xD;
	s1 =	sshrl.u32 s1, $0x2  }
0xba: {  	s3 =	sand.u32 $0x4000, s31;
	s1 =	sadd.s32 s1, s30  }
0xbb: {  	s0 =	sor.u32 s3, s0;
	s1 =	sshll.u32 s1, $0x11  }
0xbc: {  	s0 =	sor.u32 s1, s0  }
0xbd: {  	s0 =	sadd.s32 $0x8F2B, s0  }
0xbe: {  	[sflag:s0] =	ssyncadd.remote.s32 $0x1  }
0xbf: {  	_ =	sfence.sel $0xFFFF  }
0xc0: {  	[dreg:$0x0] =	wrdreg $0xFFFFFFFF;
	(pc) =	sbr.abs _section_cstart, $3  }
0xc1: {  	[dreg:$0x1] =	wrdreg $0xFFFFFFFF  }
0xc2: {  	_ =	task.clear_ibuf [dreg:s7], $0x2FFFF;
	_ =	strace $0x9FFFFFFF  }
0xc3: {  	(tm) =	ssettm $0x7FFFFFFF  }
tec
execute0_lowered:
.L_overlay_start_1:
0x0: {  	(tag) =	ssettag $0x1  }
0x1: {  	s7 =	rddreg [dreg:$0x0]  }
0x2: {  	s8 =	rddreg [dreg:$0x1]  }
0x3: {  	s2 =	rddreg [dreg:$0x2]  }
0x4: {  	s0 =	rddreg [dreg:$0x3];
	s3 =	simm.s32 $0x0;
	s1 =	stileid.u32  }
0x5: {  	s4 =	srdreg.scid;
	s14 =	simm.s32 $0x1;
	s15 =	simm.s32 $0x0  }
0x6: {  	s17 =	simm.s32 $0x64;
	[smem:$0x7FF] =	sst s3;
	s6 =	smul.u32 $0x2800, s1  }
0x7: {  	s5 =	sand.u32 $0x1, s4;
	s9 =	sshll.u32 s1, $0x1;
	s4 =	sadd.s32 $0x1CA00, s7  }
0x8: {  	s30 =	sshll.u32 s1, $0x6;
	_ =	strace $0x80000047;
	s9 =	sor.u32 s5, s9  }
0x9: {  	s11 =	ssub.s32 $0x2, s5;
	s13 =	smul.u32 $0x28000, s5;
	s10 =	sshrl.u32 s6, $0x3  }
0xa: {  	s9 =	smul.u32 $0x28A0, s9;
	s12 =	sshrl.u32 s11, $0x1;
	s29 =	sadd.s32 s6, s2  }
0xb: {  	s10 =	sadd.s32 s10, s7;
	s11 =	ssub.s32 s11, s12;
	s13 =	sadd.s32 s6, s13  }
0xc: {  	s6 =	sor.u32 $0x1C02, s30;
	s12 =	simm.s32 $0x50A0;
	s5 =	sadd.s32 $0x17A00, s10  }
0xd: {  	s9 =	sshrl.u32 s9, $0x3;
	s31 =	sshrl.u32 s13, $0x3;
	s10 =	sshrl.u32 s29, $0x3  }
0xe: {  	s13 =	simm.s32 $0x2800;
	s7 =	sadd.s32 s7, s9;
	s8 =	sadd.s32 s8, s31  }
0xf: {  	s9 =	smax.u32 s11, $0x1;
	s11 =	simm.s32 $0x2;
	s7 =	sadd.s32 $0xD680, s7  }
.LBB2_1:
0x10: {  	[spmem:s10], [sflag:s6] =	dma.local [hbm:s5], $0x500  }
0x11: {  	_ =	swait.ge [sflag:s11], $0x500  }
0x12: {  	[sflag:s11] =	ssyncset.done $0x0  }
0x13: {  	[sflag:s11] =	ssyncadd.s32 $0xFFFFFB00  }
0x14: {  	[tilespmem:s12], [sflag:$0x2] =	stream.linear.gather [hbm4b:s4+s3], $0x640, $0x38;
	[tilespmem:$0x56E0] =	vst v63  }
0x15: {  	_ =	swait.ge [sflag:s11], $0x640  }
0x16: {  	[sflag:s11] =	ssyncset.done $0x0  }
0x17: {  	[sflag:s11] =	ssyncadd.s32 $0xFFFFF9C0  }
0x18: {  	[tilespmem:s13], [sflag:$0x2] =	stream.linear.gather [hbm4b:s7+s3], $0x28A0, $0x38;
	[tilespmem:$0x56E0] =	vst v63  }
0x19: {  	_ =	swait.ge [sflag:s11], $0x28A0  }
0x1a: {  	[sflag:s11] =	ssyncset.done $0x0  }
0x1b: {  	[sflag:s11] =	ssyncadd.s32 $0xFFFFD760  }
0x1c: {  	s16 =	simm.s32 $0x1A0;
	s18 =	simm.s32 $0x2800;
	[bflag:$0x0] =	sbarrier.arrive $0xFFFF  }
.LBB2_2:
0x1d: {  	[spmem:s2] =	stream.indirect.scatter.add.f32 [tilespmem:s12], [sflag:$0x1], $0x10, s18, s17, $0xb8;
	[tilespmem:$0x56E0] =	vst v63  }
0x1e: {  	s18 =	smov.u32 s16;
	p0 =	sne.s32 s16, $0xA0E0  }
.Ltmp0:
0x1f: {  	s16 =	sadd.s32 $0x1A0, s16;
	(pc) =	sbr.rel @p0 .LBB2_2-.Ltmp0, $3  }
0x20: {  	_ =	sdelay $0x1  }
0x21: {  	s18 =	sshra.s32 s18, $0x2  }
0x22: {  	s18 =	sadd.s32 $0x2800, s18  }
0x23: {  	[spmem:s2] =	stream.indirect.scatter.add.f32 [tilespmem:s12], [sflag:$0x1], $0x10, s18, s17, $0xb8;
	[tilespmem:$0x56E0] =	vst v63  }
0x24: {  	_ =	swait.ge [sflag:s14], $0x640  }
0x25: {  	s16 =	simm.s32 $0x63;
	[sflag:s14] =	ssyncset.done $0x0  }
.LBB2_4:
0x26: {  	p0 =	sne.s32 s16, $0x1;
	s16 =	sadd.s32 $0xFFFFFFFF, s16;
	[sflag:s14] =	ssyncadd.s32 $0xFFFFF9C0  }
.Ltmp1:
0x27: {  	(pc) =	sbr.rel @p0 .LBB2_4-.Ltmp1, $3  }
0x28: {  	_ =	sdelay $0x1  }
0x29: {  	_ =	swait.ge [sflag:s14], $0x640  }
0x2a: {  	[sflag:s14] =	ssyncset.done $0x0  }
0x2b: {  	s15 =	sadd.s32 $0x1, s15  }
0x2c: {  	[sflag:s14] =	ssyncadd.s32 $0xFFFFF9C0;
	p0 =	sne.s32 s15, s9  }
.Ltmp2:
0x2d: {  	[bflag:$0x0] =	sbarrier.arrive $0xFFFF;
	(pc) =	sbr.rel @p0 .LBB2_1-.Ltmp2, $4  }
0x2e: {  	[hbm:s8], [sflag:s6] =	dma.local [spmem:s10], $0x500  }
0x2f: {  	_ =	swait.ge [sflag:s11], $0x500  }
0x30: {  	[sflag:s11] =	ssyncset.done $0x0  }
0x31: {  	[sflag:s11] =	ssyncadd.s32 $0xFFFFFB00  }
0x32: {  	_ =	sfence.sel $0x180000  }
0x33: {  	[bflag:$0x0] =	sbarrier.arrive $0xFFFF  }
0x34: {  	p0 =	sne.s32 s1, $0x0;
	_ =	strace $0x90000047  }
0x35: {  	s0 =	sadd.s32 @!p0 $0x100000, s0;
	[bflag:$0x2] =	sbarrier.arrive $0xFFFF  }
0x36: {  	[sflag:s0] =	ssyncadd.tile.s32 @!p0 $0x1;
	_ =	shalt  }
.Lfunc_end2:
_tile_overlayer_lowered:
.L_overlay_start_2:
0x37: {  	(tag) =	ssettag $0x2  }
0x38: {  	s0 =	rddreg [dreg:$0x0];
	s2 =	stileid.u32  }
0x39: {  	s1 =	rddreg [dreg:$0x1];
	p0 =	sne.s32 s2, $0x0  }
0x3a: {  	s3 =	rddreg [dreg:$0x2];
	[bflag:$0x3] =	sbarrier.arrive $0xFFFF;
	s2 =	simm.s32 @!p0 $0x1C02  }
0x3b: {  	[timem:s3], [sflag:s2] =	dma.local @!p0 [hbm:s0], s1  }
0x3c: {  	s0 =	simm.s32 @!p0 $0x2  }
0x3d: {  	_ =	swait.ge @!p0 [sflag:s0], s1  }
0x3e: {  	s1 =	ssub.s32 @!p0 $0x0, s1;
	[sflag:s0] =	ssyncset.done @!p0 $0x0  }
0x3f: {  	[sflag:s0] =	ssyncadd.s32 @!p0 s1  }
0x40: {  	[bflag:$0x3] =	sbarrier.arrive $0xFFFF  }
0x41: {  	_ =	shalt  }

</sc_bundles>
